<compile_context>
chip_gen: v7x
topology: tpu7x:2x2x1
jax: 0.10.2.dev20260603
libtpu: 0.0.44.dev20260713+nightly
codegen_flags: <defaults>
</compile_context>

<pallas_src>
import functools

import jax
import jax.numpy as jnp
from jax import lax
from jax.experimental import pallas as pl
from jax.experimental.pallas import tpu as pltpu
from jax.experimental.pallas import tpu_sc as plsc

_DIM = 64
_ENT = 1000000
_BATCH = 16384
_MARGIN = 6.0

_NC = 2
_NS = 16
_LANES = 16
_DPC = _DIM // _NC
_BPT = _BATCH // _NS
_K = _BPT // 128


def _sc_partial_kernel(ent_t, rel_t,
                       ph_hbm, pt_hbm, pr_hbm,
                       nh_hbm, nt_hbm, nr_hbm,
                       out_hbm,
                       iph, ipt, ipr, inh, int_, inr,
                       ghp, gtp, grp, ghn, gtn, grn,
                       accp, accn,
                       row_sh,
                       sem_e, sem_r, sem_g):
    c = lax.axis_index("c")
    sid = lax.axis_index("s")
    d0 = c * _DPC
    t8 = sid * _K

    pltpu.sync_copy(ph_hbm.at[pl.ds(t8, _K)], iph)
    pltpu.sync_copy(pt_hbm.at[pl.ds(t8, _K)], ipt)
    pltpu.sync_copy(pr_hbm.at[pl.ds(t8, _K)], ipr)
    pltpu.sync_copy(nh_hbm.at[pl.ds(t8, _K)], inh)
    pltpu.sync_copy(nt_hbm.at[pl.ds(t8, _K)], int_)
    pltpu.sync_copy(nr_hbm.at[pl.ds(t8, _K)], inr)

    def zero(b, _):
        bs = pl.ds(b * _LANES, _LANES)
        z = jnp.zeros((_LANES,), jnp.float32)
        accp[bs] = z
        accn[bs] = z
        return 0
    lax.fori_loop(0, _BPT // _LANES, zero, 0)

    @pl.when(sid == 0)
    def _():
        pltpu.async_copy(ent_t.at[d0], row_sh, sem_e).wait()

    plsc.subcore_barrier()

    def dim_step(j, _):
        dim = d0 + j
        dim_next = jnp.minimum(dim + 1, _DIM - 1)

        cps = []
        for idx, dst in ((iph, ghp), (ipt, gtp), (inh, ghn), (int_, gtn)):
            for kk in range(_K):
                cps.append(pltpu.async_copy(
                    row_sh.at[idx.at[kk]], dst.at[pl.ds(kk * 128, 128)],
                    sem_g))
        for cp in cps:
            cp.wait()

        plsc.subcore_barrier()

        @pl.when(sid == 1)
        def _():
            pltpu.async_copy(rel_t.at[dim], row_sh, sem_r).wait()

        plsc.subcore_barrier()

        cps = []
        for idx, dst in ((ipr, grp), (inr, grn)):
            for kk in range(_K):
                cps.append(pltpu.async_copy(
                    row_sh.at[idx.at[kk]], dst.at[pl.ds(kk * 128, 128)],
                    sem_g))
        for cp in cps:
            cp.wait()

        plsc.subcore_barrier()

        @pl.when(sid == 0)
        def _():
            pltpu.async_copy(ent_t.at[dim_next], row_sh, sem_e)

        def acc_step(b, _):
            bs = pl.ds(b * _LANES, _LANES)
            dp = ghp[bs] + grp[bs] - gtp[bs]
            accp[bs] = accp[bs] + dp * dp
            dn = ghn[bs] + grn[bs] - gtn[bs]
            accn[bs] = accn[bs] + dn * dn
            return 0
        lax.fori_loop(0, _BPT // _LANES, acc_step, 0)

        @pl.when(sid == 0)
        def _():
            pltpu.make_async_copy(ent_t.at[dim_next], row_sh, sem_e).wait()

        plsc.subcore_barrier()

        return 0

    lax.fori_loop(0, _DPC, dim_step, 0)

    base = c * (2 * _BATCH) + sid * _BPT
    pltpu.sync_copy(accp, out_hbm.at[pl.ds(base, _BPT)])
    pltpu.sync_copy(accn, out_hbm.at[pl.ds(base + _BATCH, _BPT)])


_sc_partial = functools.partial(
    pl.kernel,
    mesh=plsc.VectorSubcoreMesh(core_axis_name="c", subcore_axis_name="s"),
    compiler_params=pltpu.CompilerParams(needs_layout_passes=False),
    out_type=jax.ShapeDtypeStruct((2 * 2 * _BATCH,), jnp.float32),
    scratch_types=[
        pltpu.VMEM((_K, 128), jnp.int32),
        pltpu.VMEM((_K, 128), jnp.int32),
        pltpu.VMEM((_K, 128), jnp.int32),
        pltpu.VMEM((_K, 128), jnp.int32),
        pltpu.VMEM((_K, 128), jnp.int32),
        pltpu.VMEM((_K, 128), jnp.int32),
        pltpu.VMEM((_BPT,), jnp.float32),
        pltpu.VMEM((_BPT,), jnp.float32),
        pltpu.VMEM((_BPT,), jnp.float32),
        pltpu.VMEM((_BPT,), jnp.float32),
        pltpu.VMEM((_BPT,), jnp.float32),
        pltpu.VMEM((_BPT,), jnp.float32),
        pltpu.VMEM((_BPT,), jnp.float32),
        pltpu.VMEM((_BPT,), jnp.float32),
        pltpu.VMEM_SHARED((_ENT,), jnp.float32),
        pltpu.SemaphoreType.DMA,
        pltpu.SemaphoreType.DMA,
        pltpu.SemaphoreType.DMA,
    ],
)(_sc_partial_kernel)


def _epilogue_kernel(parts_ref, out_ref):
    pos = parts_ref[0] + parts_ref[2]
    neg = parts_ref[1] + parts_ref[3]
    x = jnp.maximum(jnp.sqrt(pos) - jnp.sqrt(neg), -_MARGIN)
    out_ref[...] = (jnp.sum(x) / _BATCH + _MARGIN).reshape(1, 1)


def kernel(batch_corrects, batch_corrupts, ent_emb, rel_emb):
    ent_t = ent_emb.T
    rel_t = rel_emb.T

    ph = batch_corrects[:, 0].reshape(128, 128)
    pt = batch_corrects[:, 1].reshape(128, 128)
    pr = batch_corrects[:, 2].reshape(128, 128)
    nh = batch_corrupts[:, 0].reshape(128, 128)
    nt = batch_corrupts[:, 1].reshape(128, 128)
    nr = batch_corrupts[:, 2].reshape(128, 128)

    parts = _sc_partial(ent_t, rel_t, ph, pt, pr, nh, nt, nr)

    loss = pl.pallas_call(
        _epilogue_kernel,
        out_shape=jax.ShapeDtypeStruct((1, 1), jnp.float32),
    )(parts.reshape(4, 128, 128))
    return loss.reshape(1)

# --- scband reference (transcript-rebuilt; emitter-appended) ---
"""Pipeline reference for scband-trans-e-69466801045679 (READ-ONLY COPY).

The authoritative reference and input builder live on the scoring server;
editing this copy changes nothing except your own understanding.
"""

import jax, jax.numpy as jnp
import numpy as np

ENT_NUM = 1000000
REL_NUM = 1000000
DIM = 64
BATCH = 16384
MARGIN = 6.0


def setup_inputs(seed: int = 0) -> dict:
    key = jax.random.key(seed)
    k1, k2, k3, k4 = jax.random.split(key, 4)
    bound = 6.0 / np.sqrt(DIM)
    ent_emb = jax.random.uniform(k1, (ENT_NUM, DIM), minval=-bound, maxval=bound, dtype=jnp.float32)
    rel_emb = jax.random.uniform(k2, (REL_NUM, DIM), minval=-bound, maxval=bound, dtype=jnp.float32)
    batch_corrects = jax.random.randint(k3, (BATCH, 3), 0, ENT_NUM, dtype=jnp.int32)
    batch_corrupts = jax.random.randint(k4, (BATCH, 3), 0, ENT_NUM, dtype=jnp.int32)
    return {
        'batch_corrects': batch_corrects,
        'batch_corrupts': batch_corrupts,
        'ent_emb': ent_emb,
        'rel_emb': rel_emb,
    }


def reference(batch_corrects, batch_corrupts, ent_emb, rel_emb):
    margin = jnp.array([MARGIN], dtype=jnp.float32)
    # positive triples
    c_h = jnp.take(ent_emb, batch_corrects[:, 0], axis=0)
    c_t = jnp.take(ent_emb, batch_corrects[:, 1], axis=0)
    c_r = jnp.take(rel_emb, batch_corrects[:, 2], axis=0)
    pos_score = jnp.linalg.norm(c_h + c_r - c_t, ord=2, axis=-1).reshape(-1)
    # corrupted (negative) triples
    cu_h = jnp.take(ent_emb, batch_corrupts[:, 0], axis=0)
    cu_t = jnp.take(ent_emb, batch_corrupts[:, 1], axis=0)
    cu_r = jnp.take(rel_emb, batch_corrupts[:, 2], axis=0)
    neg_score = jnp.linalg.norm(cu_h + cu_r - cu_t, ord=2, axis=-1).reshape(-1)
    # MarginLoss
    loss = jnp.maximum(pos_score - neg_score, -margin).mean() + margin
    return loss

if __name__ == "__main__":
    import jax
    _d = setup_inputs()
    print(jax.jit(kernel)(*tuple(_d.values())))

</pallas_src>

<mosaic_0001>
#map = affine_map<(d0, d1) -> (0, 0)>
#map1 = affine_map<(d0, d1) -> (0)>
module attributes {stable_mosaic.version = 14 : i64} {
  func.func @_sc_partial_kernel(%arg0: i32, %arg1: i32, %arg2: memref<64x1000000xf32, #tpu.memory_space<hbm>>, %arg3: memref<64x1000000xf32, #tpu.memory_space<hbm>>, %arg4: memref<128x128xi32, #tpu.memory_space<hbm>>, %arg5: memref<128x128xi32, #tpu.memory_space<hbm>>, %arg6: memref<128x128xi32, #tpu.memory_space<hbm>>, %arg7: memref<128x128xi32, #tpu.memory_space<hbm>>, %arg8: memref<128x128xi32, #tpu.memory_space<hbm>>, %arg9: memref<128x128xi32, #tpu.memory_space<hbm>>, %arg10: memref<65536xf32, #tpu.memory_space<hbm>>, %arg11: memref<8x128xi32, #tpu.memory_space<vmem>>, %arg12: memref<8x128xi32, #tpu.memory_space<vmem>>, %arg13: memref<8x128xi32, #tpu.memory_space<vmem>>, %arg14: memref<8x128xi32, #tpu.memory_space<vmem>>, %arg15: memref<8x128xi32, #tpu.memory_space<vmem>>, %arg16: memref<8x128xi32, #tpu.memory_space<vmem>>, %arg17: memref<1024xf32, #tpu.memory_space<vmem>>, %arg18: memref<1024xf32, #tpu.memory_space<vmem>>, %arg19: memref<1024xf32, #tpu.memory_space<vmem>>, %arg20: memref<1024xf32, #tpu.memory_space<vmem>>, %arg21: memref<1024xf32, #tpu.memory_space<vmem>>, %arg22: memref<1024xf32, #tpu.memory_space<vmem>>, %arg23: memref<1024xf32, #tpu.memory_space<vmem>>, %arg24: memref<1024xf32, #tpu.memory_space<vmem>>, %arg25: memref<1000000xf32, #tpu.memory_space<vmem_shared>>, %arg26: memref<!tpu.dma_semaphore, #tpu.memory_space<semaphore_mem>>, %arg27: memref<!tpu.dma_semaphore, #tpu.memory_space<semaphore_mem>>, %arg28: memref<!tpu.dma_semaphore, #tpu.memory_space<semaphore_mem>>) attributes {dimension_semantics = [#tpu.dimension_semantics<core_parallel>, #tpu.dimension_semantics<subcore_parallel>], iteration_bounds = array<i64: 2, 16>, scalar_prefetch = 0 : i64, scratch_operands = 18 : i64, tpu.core_type = #tpu.core_type<sc_vector_subcore>, window_params = [{transform_indices = #map}, {transform_indices = #map}, {transform_indices = #map}, {transform_indices = #map}, {transform_indices = #map}, {transform_indices = #map}, {transform_indices = #map}, {transform_indices = #map}, {transform_indices = #map1}]} {
    %mul3A = arith.constant 32 : i32
    %mul3A_0 = arith.muli %arg0, %mul3A : i32
    %mul3A_1 = arith.constant 8 : i32
    %mul3A_2 = arith.muli %arg1, %mul3A_1 : i32
    "tpu.region"() ({
      %run_scoped3A = tpu.sem_alloc : memref<!tpu.dma_semaphore, #tpu.memory_space<semaphore_mem>>
      %dma_start3A = arith.constant 0 : i32
      %dma_start3A_24 = tpu.memref_slice %arg4[%mul3A_2, %dma_start3A] : memref<128x128xi32, #tpu.memory_space<hbm>> -> memref<8x128xi32, #tpu.memory_space<hbm>>
      %dma_start3A_25 = arith.constant 0 : i32
      %dma_start3A_26 = tpu.memref_slice %arg4[%mul3A_2, %dma_start3A_25] : memref<128x128xi32, #tpu.memory_space<hbm>> -> memref<8x128xi32, #tpu.memory_space<hbm>>
      tpu.enqueue_dma source(%dma_start3A_26 : memref<8x128xi32, #tpu.memory_space<hbm>>) target(%arg11 : memref<8x128xi32, #tpu.memory_space<vmem>>) target_semaphore(%run_scoped3A : memref<!tpu.dma_semaphore, #tpu.memory_space<semaphore_mem>>)
      %dma_wait3A = arith.constant 0 : i32
      %dma_wait3A_27 = tpu.memref_slice %arg4[%mul3A_2, %dma_wait3A] : memref<128x128xi32, #tpu.memory_space<hbm>> -> memref<8x128xi32, #tpu.memory_space<hbm>>
      %dma_wait3A_28 = arith.constant 0 : i32
      %dma_wait3A_29 = tpu.memref_slice %arg4[%mul3A_2, %dma_wait3A_28] : memref<128x128xi32, #tpu.memory_space<hbm>> -> memref<8x128xi32, #tpu.memory_space<hbm>>
      tpu.wait_dma2 semaphore(%run_scoped3A : memref<!tpu.dma_semaphore, #tpu.memory_space<semaphore_mem>>) src(%dma_wait3A_29 : memref<8x128xi32, #tpu.memory_space<hbm>>) dst(%arg11 : memref<8x128xi32, #tpu.memory_space<vmem>>)
      tpu.yield
    }) : () -> ()
    "tpu.region"() ({
      %run_scoped3A = tpu.sem_alloc : memref<!tpu.dma_semaphore, #tpu.memory_space<semaphore_mem>>
      %dma_start3A = arith.constant 0 : i32
      %dma_start3A_24 = tpu.memref_slice %arg5[%mul3A_2, %dma_start3A] : memref<128x128xi32, #tpu.memory_space<hbm>> -> memref<8x128xi32, #tpu.memory_space<hbm>>
      %dma_start3A_25 = arith.constant 0 : i32
      %dma_start3A_26 = tpu.memref_slice %arg5[%mul3A_2, %dma_start3A_25] : memref<128x128xi32, #tpu.memory_space<hbm>> -> memref<8x128xi32, #tpu.memory_space<hbm>>
      tpu.enqueue_dma source(%dma_start3A_26 : memref<8x128xi32, #tpu.memory_space<hbm>>) target(%arg12 : memref<8x128xi32, #tpu.memory_space<vmem>>) target_semaphore(%run_scoped3A : memref<!tpu.dma_semaphore, #tpu.memory_space<semaphore_mem>>)
      %dma_wait3A = arith.constant 0 : i32
      %dma_wait3A_27 = tpu.memref_slice %arg5[%mul3A_2, %dma_wait3A] : memref<128x128xi32, #tpu.memory_space<hbm>> -> memref<8x128xi32, #tpu.memory_space<hbm>>
      %dma_wait3A_28 = arith.constant 0 : i32
      %dma_wait3A_29 = tpu.memref_slice %arg5[%mul3A_2, %dma_wait3A_28] : memref<128x128xi32, #tpu.memory_space<hbm>> -> memref<8x128xi32, #tpu.memory_space<hbm>>
      tpu.wait_dma2 semaphore(%run_scoped3A : memref<!tpu.dma_semaphore, #tpu.memory_space<semaphore_mem>>) src(%dma_wait3A_29 : memref<8x128xi32, #tpu.memory_space<hbm>>) dst(%arg12 : memref<8x128xi32, #tpu.memory_space<vmem>>)
      tpu.yield
    }) : () -> ()
    "tpu.region"() ({
      %run_scoped3A = tpu.sem_alloc : memref<!tpu.dma_semaphore, #tpu.memory_space<semaphore_mem>>
      %dma_start3A = arith.constant 0 : i32
      %dma_start3A_24 = tpu.memref_slice %arg6[%mul3A_2, %dma_start3A] : memref<128x128xi32, #tpu.memory_space<hbm>> -> memref<8x128xi32, #tpu.memory_space<hbm>>
      %dma_start3A_25 = arith.constant 0 : i32
      %dma_start3A_26 = tpu.memref_slice %arg6[%mul3A_2, %dma_start3A_25] : memref<128x128xi32, #tpu.memory_space<hbm>> -> memref<8x128xi32, #tpu.memory_space<hbm>>
      tpu.enqueue_dma source(%dma_start3A_26 : memref<8x128xi32, #tpu.memory_space<hbm>>) target(%arg13 : memref<8x128xi32, #tpu.memory_space<vmem>>) target_semaphore(%run_scoped3A : memref<!tpu.dma_semaphore, #tpu.memory_space<semaphore_mem>>)
      %dma_wait3A = arith.constant 0 : i32
      %dma_wait3A_27 = tpu.memref_slice %arg6[%mul3A_2, %dma_wait3A] : memref<128x128xi32, #tpu.memory_space<hbm>> -> memref<8x128xi32, #tpu.memory_space<hbm>>
      %dma_wait3A_28 = arith.constant 0 : i32
      %dma_wait3A_29 = tpu.memref_slice %arg6[%mul3A_2, %dma_wait3A_28] : memref<128x128xi32, #tpu.memory_space<hbm>> -> memref<8x128xi32, #tpu.memory_space<hbm>>
      tpu.wait_dma2 semaphore(%run_scoped3A : memref<!tpu.dma_semaphore, #tpu.memory_space<semaphore_mem>>) src(%dma_wait3A_29 : memref<8x128xi32, #tpu.memory_space<hbm>>) dst(%arg13 : memref<8x128xi32, #tpu.memory_space<vmem>>)
      tpu.yield
    }) : () -> ()
    "tpu.region"() ({
      %run_scoped3A = tpu.sem_alloc : memref<!tpu.dma_semaphore, #tpu.memory_space<semaphore_mem>>
      %dma_start3A = arith.constant 0 : i32
      %dma_start3A_24 = tpu.memref_slice %arg7[%mul3A_2, %dma_start3A] : memref<128x128xi32, #tpu.memory_space<hbm>> -> memref<8x128xi32, #tpu.memory_space<hbm>>
      %dma_start3A_25 = arith.constant 0 : i32
      %dma_start3A_26 = tpu.memref_slice %arg7[%mul3A_2, %dma_start3A_25] : memref<128x128xi32, #tpu.memory_space<hbm>> -> memref<8x128xi32, #tpu.memory_space<hbm>>
      tpu.enqueue_dma source(%dma_start3A_26 : memref<8x128xi32, #tpu.memory_space<hbm>>) target(%arg14 : memref<8x128xi32, #tpu.memory_space<vmem>>) target_semaphore(%run_scoped3A : memref<!tpu.dma_semaphore, #tpu.memory_space<semaphore_mem>>)
      %dma_wait3A = arith.constant 0 : i32
      %dma_wait3A_27 = tpu.memref_slice %arg7[%mul3A_2, %dma_wait3A] : memref<128x128xi32, #tpu.memory_space<hbm>> -> memref<8x128xi32, #tpu.memory_space<hbm>>
      %dma_wait3A_28 = arith.constant 0 : i32
      %dma_wait3A_29 = tpu.memref_slice %arg7[%mul3A_2, %dma_wait3A_28] : memref<128x128xi32, #tpu.memory_space<hbm>> -> memref<8x128xi32, #tpu.memory_space<hbm>>
      tpu.wait_dma2 semaphore(%run_scoped3A : memref<!tpu.dma_semaphore, #tpu.memory_space<semaphore_mem>>) src(%dma_wait3A_29 : memref<8x128xi32, #tpu.memory_space<hbm>>) dst(%arg14 : memref<8x128xi32, #tpu.memory_space<vmem>>)
      tpu.yield
    }) : () -> ()
    "tpu.region"() ({
      %run_scoped3A = tpu.sem_alloc : memref<!tpu.dma_semaphore, #tpu.memory_space<semaphore_mem>>
      %dma_start3A = arith.constant 0 : i32
      %dma_start3A_24 = tpu.memref_slice %arg8[%mul3A_2, %dma_start3A] : memref<128x128xi32, #tpu.memory_space<hbm>> -> memref<8x128xi32, #tpu.memory_space<hbm>>
      %dma_start3A_25 = arith.constant 0 : i32
      %dma_start3A_26 = tpu.memref_slice %arg8[%mul3A_2, %dma_start3A_25] : memref<128x128xi32, #tpu.memory_space<hbm>> -> memref<8x128xi32, #tpu.memory_space<hbm>>
      tpu.enqueue_dma source(%dma_start3A_26 : memref<8x128xi32, #tpu.memory_space<hbm>>) target(%arg15 : memref<8x128xi32, #tpu.memory_space<vmem>>) target_semaphore(%run_scoped3A : memref<!tpu.dma_semaphore, #tpu.memory_space<semaphore_mem>>)
      %dma_wait3A = arith.constant 0 : i32
      %dma_wait3A_27 = tpu.memref_slice %arg8[%mul3A_2, %dma_wait3A] : memref<128x128xi32, #tpu.memory_space<hbm>> -> memref<8x128xi32, #tpu.memory_space<hbm>>
      %dma_wait3A_28 = arith.constant 0 : i32
      %dma_wait3A_29 = tpu.memref_slice %arg8[%mul3A_2, %dma_wait3A_28] : memref<128x128xi32, #tpu.memory_space<hbm>> -> memref<8x128xi32, #tpu.memory_space<hbm>>
      tpu.wait_dma2 semaphore(%run_scoped3A : memref<!tpu.dma_semaphore, #tpu.memory_space<semaphore_mem>>) src(%dma_wait3A_29 : memref<8x128xi32, #tpu.memory_space<hbm>>) dst(%arg15 : memref<8x128xi32, #tpu.memory_space<vmem>>)
      tpu.yield
    }) : () -> ()
    "tpu.region"() ({
      %run_scoped3A = tpu.sem_alloc : memref<!tpu.dma_semaphore, #tpu.memory_space<semaphore_mem>>
      %dma_start3A = arith.constant 0 : i32
      %dma_start3A_24 = tpu.memref_slice %arg9[%mul3A_2, %dma_start3A] : memref<128x128xi32, #tpu.memory_space<hbm>> -> memref<8x128xi32, #tpu.memory_space<hbm>>
      %dma_start3A_25 = arith.constant 0 : i32
      %dma_start3A_26 = tpu.memref_slice %arg9[%mul3A_2, %dma_start3A_25] : memref<128x128xi32, #tpu.memory_space<hbm>> -> memref<8x128xi32, #tpu.memory_space<hbm>>
      tpu.enqueue_dma source(%dma_start3A_26 : memref<8x128xi32, #tpu.memory_space<hbm>>) target(%arg16 : memref<8x128xi32, #tpu.memory_space<vmem>>) target_semaphore(%run_scoped3A : memref<!tpu.dma_semaphore, #tpu.memory_space<semaphore_mem>>)
      %dma_wait3A = arith.constant 0 : i32
      %dma_wait3A_27 = tpu.memref_slice %arg9[%mul3A_2, %dma_wait3A] : memref<128x128xi32, #tpu.memory_space<hbm>> -> memref<8x128xi32, #tpu.memory_space<hbm>>
      %dma_wait3A_28 = arith.constant 0 : i32
      %dma_wait3A_29 = tpu.memref_slice %arg9[%mul3A_2, %dma_wait3A_28] : memref<128x128xi32, #tpu.memory_space<hbm>> -> memref<8x128xi32, #tpu.memory_space<hbm>>
      tpu.wait_dma2 semaphore(%run_scoped3A : memref<!tpu.dma_semaphore, #tpu.memory_space<semaphore_mem>>) src(%dma_wait3A_29 : memref<8x128xi32, #tpu.memory_space<hbm>>) dst(%arg16 : memref<8x128xi32, #tpu.memory_space<vmem>>)
      tpu.yield
    }) : () -> ()
    %scan3A = arith.constant 0 : i32
    %scan3A_3 = arith.constant 0 : i32
    %scan3A_4 = arith.constant 64 : i32
    %scan3A_5 = arith.addi %scan3A_3, %scan3A_4 : i32
    %scan3A_6 = arith.constant 1 : i32
    %scan3A_7 = scf.for %scan3A_24 = %scan3A_3 to %scan3A_5 step %scan3A_6 iter_args(%scan3A_25 = %scan3A) -> (i32)  : i32 {
      %mul3A_26 = arith.constant 16 : i32
      %mul3A_27 = arith.muli %scan3A_24, %mul3A_26 : i32
      %broadcast_in_dim3A = arith.constant 0.000000e+00 : f32
      %broadcast_in_dim3A_28 = vector.broadcast %broadcast_in_dim3A : f32 to vector<16xf32>
      %swap3A = arith.index_cast %mul3A_27 : i32 to index
      %swap3A_29 = tpu.vector_load %arg23[%swap3A] {strides = array<i32>} : memref<1024xf32, #tpu.memory_space<vmem>>, vector<16xf32>,
      tpu.vector_store %arg23[%swap3A], %broadcast_in_dim3A_28 {strides = array<i32>} : memref<1024xf32, #tpu.memory_space<vmem>>, vector<16xf32>,
      %swap3A_30 = arith.index_cast %mul3A_27 : i32 to index
      %swap3A_31 = tpu.vector_load %arg24[%swap3A_30] {strides = array<i32>} : memref<1024xf32, #tpu.memory_space<vmem>>, vector<16xf32>,
      tpu.vector_store %arg24[%swap3A_30], %broadcast_in_dim3A_28 {strides = array<i32>} : memref<1024xf32, #tpu.memory_space<vmem>>, vector<16xf32>,
      %scan3A_32 = arith.constant 0 : i32
      scf.yield %scan3A_32 : i32
    }
    %scan3A_8 = arith.constant 64 : i32
    %eq3A = arith.constant 0 : i32
    %eq3A_9 = arith.cmpi eq, %arg1, %eq3A : i32
    %convert_element_type3A = arith.extui %eq3A_9 : i1 to i32
    %cond3A = arith.constant 0 : i32
    %cond3A_10 = arith.cmpi ne, %convert_element_type3A, %cond3A : i32
    scf.if %cond3A_10 {
      %dma_start3A = arith.constant 0 : i32
      %dma_start3A_24 = tpu.memref_slice %arg2[%mul3A_0, %dma_start3A] : memref<64x1000000xf32, #tpu.memory_space<hbm>> -> memref<1x1000000xf32, #tpu.memory_space<hbm>>
      %dma_start3A_25 = tpu.memref_squeeze %dma_start3A_24 : memref<1x1000000xf32, #tpu.memory_space<hbm>> -> memref<1000000xf32, #tpu.memory_space<hbm>>
      tpu.enqueue_dma source(%dma_start3A_25 : memref<1000000xf32, #tpu.memory_space<hbm>>) target(%arg25 : memref<1000000xf32, #tpu.memory_space<vmem_shared>>) target_semaphore(%arg26 : memref<!tpu.dma_semaphore, #tpu.memory_space<semaphore_mem>>)
      %dma_wait3A = arith.constant 0 : i32
      %dma_wait3A_26 = tpu.memref_slice %arg2[%mul3A_0, %dma_wait3A] : memref<64x1000000xf32, #tpu.memory_space<hbm>> -> memref<1x1000000xf32, #tpu.memory_space<hbm>>
      %dma_wait3A_27 = tpu.memref_squeeze %dma_wait3A_26 : memref<1x1000000xf32, #tpu.memory_space<hbm>> -> memref<1000000xf32, #tpu.memory_space<hbm>>
      tpu.wait_dma2 semaphore(%arg26 : memref<!tpu.dma_semaphore, #tpu.memory_space<semaphore_mem>>) src(%dma_wait3A_27 : memref<1000000xf32, #tpu.memory_space<hbm>>) dst(%arg25 : memref<1000000xf32, #tpu.memory_space<vmem_shared>>)
    } else {
    }
    %barrier3A = arith.constant 0 : index
    tpu.barrier barrier_id(%barrier3A)
    %scan3A_11 = arith.constant 0 : i32
    %scan3A_12 = arith.constant 0 : i32
    %scan3A_13 = arith.constant 32 : i32
    %scan3A_14 = arith.addi %scan3A_12, %scan3A_13 : i32
    %scan3A_15 = arith.constant 1 : i32
    %scan3A_16 = scf.for %scan3A_24 = %scan3A_12 to %scan3A_14 step %scan3A_15 iter_args(%scan3A_25 = %scan3A_11) -> (i32)  : i32 {
      %add3A_26 = arith.addi %mul3A_0, %scan3A_24 : i32
      %add3A_27 = arith.constant 1 : i32
      %add3A_28 = arith.addi %add3A_26, %add3A_27 : i32
      %min3A = arith.constant 63 : i32
      %min3A_29 = arith.minsi %add3A_28, %min3A : i32
      %dma_start3A = arith.constant 0 : i32
      %dma_start3A_30 = arith.constant 0 : i32
      %dma_start3A_31 = tpu.memref_slice %arg17[%dma_start3A_30] : memref<1024xf32, #tpu.memory_space<vmem>> -> memref<128xf32, #tpu.memory_space<vmem>>
      %dma_start3A_32 = arith.constant 0 : i32
      %dma_start3A_33 = tpu.memref_slice %arg11[%dma_start3A, %dma_start3A_32] : memref<8x128xi32, #tpu.memory_space<vmem>> -> memref<1x128xi32, #tpu.memory_space<vmem>>
      %dma_start3A_34 = tpu.memref_squeeze %dma_start3A_33 : memref<1x128xi32, #tpu.memory_space<vmem>> -> memref<128xi32, #tpu.memory_space<vmem>>
      %dma_start3A_35 = arith.constant 0 : i32
      %dma_start3A_36 = tpu.memref_slice %arg25[%dma_start3A_35] : memref<1000000xf32, #tpu.memory_space<vmem_shared>> -> memref<1000000xf32, #tpu.memory_space<vmem_shared>>
      tpu.enqueue_indirect_dma source(%dma_start3A_36 : memref<1000000xf32, #tpu.memory_space<vmem_shared>>) target(%dma_start3A_31 : memref<128xf32, #tpu.memory_space<vmem>>) offsets(%dma_start3A_34 : memref<128xi32, #tpu.memory_space<vmem>>) semaphore(%arg28 : memref<!tpu.dma_semaphore, #tpu.memory_space<semaphore_mem>>)
      %dma_start3A_37 = arith.constant 1 : i32
      %dma_start3A_38 = arith.constant 128 : i32
      %dma_start3A_39 = tpu.memref_slice %arg17[%dma_start3A_38] : memref<1024xf32, #tpu.memory_space<vmem>> -> memref<128xf32, #tpu.memory_space<vmem>>
      %dma_start3A_40 = arith.constant 0 : i32
      %dma_start3A_41 = tpu.memref_slice %arg11[%dma_start3A_37, %dma_start3A_40] : memref<8x128xi32, #tpu.memory_space<vmem>> -> memref<1x128xi32, #tpu.memory_space<vmem>>
      %dma_start3A_42 = tpu.memref_squeeze %dma_start3A_41 : memref<1x128xi32, #tpu.memory_space<vmem>> -> memref<128xi32, #tpu.memory_space<vmem>>
      %dma_start3A_43 = arith.constant 0 : i32
      %dma_start3A_44 = tpu.memref_slice %arg25[%dma_start3A_43] : memref<1000000xf32, #tpu.memory_space<vmem_shared>> -> memref<1000000xf32, #tpu.memory_space<vmem_shared>>
      tpu.enqueue_indirect_dma source(%dma_start3A_44 : memref<1000000xf32, #tpu.memory_space<vmem_shared>>) target(%dma_start3A_39 : memref<128xf32, #tpu.memory_space<vmem>>) offsets(%dma_start3A_42 : memref<128xi32, #tpu.memory_space<vmem>>) semaphore(%arg28 : memref<!tpu.dma_semaphore, #tpu.memory_space<semaphore_mem>>)
      %dma_start3A_45 = arith.constant 2 : i32
      %dma_start3A_46 = arith.constant 256 : i32
      %dma_start3A_47 = tpu.memref_slice %arg17[%dma_start3A_46] : memref<1024xf32, #tpu.memory_space<vmem>> -> memref<128xf32, #tpu.memory_space<vmem>>
      %dma_start3A_48 = arith.constant 0 : i32
      %dma_start3A_49 = tpu.memref_slice %arg11[%dma_start3A_45, %dma_start3A_48] : memref<8x128xi32, #tpu.memory_space<vmem>> -> memref<1x128xi32, #tpu.memory_space<vmem>>
      %dma_start3A_50 = tpu.memref_squeeze %dma_start3A_49 : memref<1x128xi32, #tpu.memory_space<vmem>> -> memref<128xi32, #tpu.memory_space<vmem>>
      %dma_start3A_51 = arith.constant 0 : i32
      %dma_start3A_52 = tpu.memref_slice %arg25[%dma_start3A_51] : memref<1000000xf32, #tpu.memory_space<vmem_shared>> -> memref<1000000xf32, #tpu.memory_space<vmem_shared>>
      tpu.enqueue_indirect_dma source(%dma_start3A_52 : memref<1000000xf32, #tpu.memory_space<vmem_shared>>) target(%dma_start3A_47 : memref<128xf32, #tpu.memory_space<vmem>>) offsets(%dma_start3A_50 : memref<128xi32, #tpu.memory_space<vmem>>) semaphore(%arg28 : memref<!tpu.dma_semaphore, #tpu.memory_space<semaphore_mem>>)
      %dma_start3A_53 = arith.constant 3 : i32
      %dma_start3A_54 = arith.constant 384 : i32
      %dma_start3A_55 = tpu.memref_slice %arg17[%dma_start3A_54] : memref<1024xf32, #tpu.memory_space<vmem>> -> memref<128xf32, #tpu.memory_space<vmem>>
      %dma_start3A_56 = arith.constant 0 : i32
      %dma_start3A_57 = tpu.memref_slice %arg11[%dma_start3A_53, %dma_start3A_56] : memref<8x128xi32, #tpu.memory_space<vmem>> -> memref<1x128xi32, #tpu.memory_space<vmem>>
      %dma_start3A_58 = tpu.memref_squeeze %dma_start3A_57 : memref<1x128xi32, #tpu.memory_space<vmem>> -> memref<128xi32, #tpu.memory_space<vmem>>
      %dma_start3A_59 = arith.constant 0 : i32
      %dma_start3A_60 = tpu.memref_slice %arg25[%dma_start3A_59] : memref<1000000xf32, #tpu.memory_space<vmem_shared>> -> memref<1000000xf32, #tpu.memory_space<vmem_shared>>
      tpu.enqueue_indirect_dma source(%dma_start3A_60 : memref<1000000xf32, #tpu.memory_space<vmem_shared>>) target(%dma_start3A_55 : memref<128xf32, #tpu.memory_space<vmem>>) offsets(%dma_start3A_58 : memref<128xi32, #tpu.memory_space<vmem>>) semaphore(%arg28 : memref<!tpu.dma_semaphore, #tpu.memory_space<semaphore_mem>>)
      %dma_start3A_61 = arith.constant 4 : i32
      %dma_start3A_62 = arith.constant 512 : i32
      %dma_start3A_63 = tpu.memref_slice %arg17[%dma_start3A_62] : memref<1024xf32, #tpu.memory_space<vmem>> -> memref<128xf32, #tpu.memory_space<vmem>>
      %dma_start3A_64 = arith.constant 0 : i32
      %dma_start3A_65 = tpu.memref_slice %arg11[%dma_start3A_61, %dma_start3A_64] : memref<8x128xi32, #tpu.memory_space<vmem>> -> memref<1x128xi32, #tpu.memory_space<vmem>>
      %dma_start3A_66 = tpu.memref_squeeze %dma_start3A_65 : memref<1x128xi32, #tpu.memory_space<vmem>> -> memref<128xi32, #tpu.memory_space<vmem>>
      %dma_start3A_67 = arith.constant 0 : i32
      %dma_start3A_68 = tpu.memref_slice %arg25[%dma_start3A_67] : memref<1000000xf32, #tpu.memory_space<vmem_shared>> -> memref<1000000xf32, #tpu.memory_space<vmem_shared>>
      tpu.enqueue_indirect_dma source(%dma_start3A_68 : memref<1000000xf32, #tpu.memory_space<vmem_shared>>) target(%dma_start3A_63 : memref<128xf32, #tpu.memory_space<vmem>>) offsets(%dma_start3A_66 : memref<128xi32, #tpu.memory_space<vmem>>) semaphore(%arg28 : memref<!tpu.dma_semaphore, #tpu.memory_space<semaphore_mem>>)
      %dma_start3A_69 = arith.constant 5 : i32
      %dma_start3A_70 = arith.constant 640 : i32
      %dma_start3A_71 = tpu.memref_slice %arg17[%dma_start3A_70] : memref<1024xf32, #tpu.memory_space<vmem>> -> memref<128xf32, #tpu.memory_space<vmem>>
      %dma_start3A_72 = arith.constant 0 : i32
      %dma_start3A_73 = tpu.memref_slice %arg11[%dma_start3A_69, %dma_start3A_72] : memref<8x128xi32, #tpu.memory_space<vmem>> -> memref<1x128xi32, #tpu.memory_space<vmem>>
      %dma_start3A_74 = tpu.memref_squeeze %dma_start3A_73 : memref<1x128xi32, #tpu.memory_space<vmem>> -> memref<128xi32, #tpu.memory_space<vmem>>
      %dma_start3A_75 = arith.constant 0 : i32
      %dma_start3A_76 = tpu.memref_slice %arg25[%dma_start3A_75] : memref<1000000xf32, #tpu.memory_space<vmem_shared>> -> memref<1000000xf32, #tpu.memory_space<vmem_shared>>
      tpu.enqueue_indirect_dma source(%dma_start3A_76 : memref<1000000xf32, #tpu.memory_space<vmem_shared>>) target(%dma_start3A_71 : memref<128xf32, #tpu.memory_space<vmem>>) offsets(%dma_start3A_74 : memref<128xi32, #tpu.memory_space<vmem>>) semaphore(%arg28 : memref<!tpu.dma_semaphore, #tpu.memory_space<semaphore_mem>>)
      %dma_start3A_77 = arith.constant 6 : i32
      %dma_start3A_78 = arith.constant 768 : i32
      %dma_start3A_79 = tpu.memref_slice %arg17[%dma_start3A_78] : memref<1024xf32, #tpu.memory_space<vmem>> -> memref<128xf32, #tpu.memory_space<vmem>>
      %dma_start3A_80 = arith.constant 0 : i32
      %dma_start3A_81 = tpu.memref_slice %arg11[%dma_start3A_77, %dma_start3A_80] : memref<8x128xi32, #tpu.memory_space<vmem>> -> memref<1x128xi32, #tpu.memory_space<vmem>>
      %dma_start3A_82 = tpu.memref_squeeze %dma_start3A_81 : memref<1x128xi32, #tpu.memory_space<vmem>> -> memref<128xi32, #tpu.memory_space<vmem>>
      %dma_start3A_83 = arith.constant 0 : i32
      %dma_start3A_84 = tpu.memref_slice %arg25[%dma_start3A_83] : memref<1000000xf32, #tpu.memory_space<vmem_shared>> -> memref<1000000xf32, #tpu.memory_space<vmem_shared>>
      tpu.enqueue_indirect_dma source(%dma_start3A_84 : memref<1000000xf32, #tpu.memory_space<vmem_shared>>) target(%dma_start3A_79 : memref<128xf32, #tpu.memory_space<vmem>>) offsets(%dma_start3A_82 : memref<128xi32, #tpu.memory_space<vmem>>) semaphore(%arg28 : memref<!tpu.dma_semaphore, #tpu.memory_space<semaphore_mem>>)
      %dma_start3A_85 = arith.constant 7 : i32
      %dma_start3A_86 = arith.constant 896 : i32
      %dma_start3A_87 = tpu.memref_slice %arg17[%dma_start3A_86] : memref<1024xf32, #tpu.memory_space<vmem>> -> memref<128xf32, #tpu.memory_space<vmem>>
      %dma_start3A_88 = arith.constant 0 : i32
      %dma_start3A_89 = tpu.memref_slice %arg11[%dma_start3A_85, %dma_start3A_88] : memref<8x128xi32, #tpu.memory_space<vmem>> -> memref<1x128xi32, #tpu.memory_space<vmem>>
      %dma_start3A_90 = tpu.memref_squeeze %dma_start3A_89 : memref<1x128xi32, #tpu.memory_space<vmem>> -> memref<128xi32, #tpu.memory_space<vmem>>
      %dma_start3A_91 = arith.constant 0 : i32
      %dma_start3A_92 = tpu.memref_slice %arg25[%dma_start3A_91] : memref<1000000xf32, #tpu.memory_space<vmem_shared>> -> memref<1000000xf32, #tpu.memory_space<vmem_shared>>
      tpu.enqueue_indirect_dma source(%dma_start3A_92 : memref<1000000xf32, #tpu.memory_space<vmem_shared>>) target(%dma_start3A_87 : memref<128xf32, #tpu.memory_space<vmem>>) offsets(%dma_start3A_90 : memref<128xi32, #tpu.memory_space<vmem>>) semaphore(%arg28 : memref<!tpu.dma_semaphore, #tpu.memory_space<semaphore_mem>>)
      %dma_start3A_93 = arith.constant 0 : i32
      %dma_start3A_94 = arith.constant 0 : i32
      %dma_start3A_95 = tpu.memref_slice %arg18[%dma_start3A_94] : memref<1024xf32, #tpu.memory_space<vmem>> -> memref<128xf32, #tpu.memory_space<vmem>>
      %dma_start3A_96 = arith.constant 0 : i32
      %dma_start3A_97 = tpu.memref_slice %arg12[%dma_start3A_93, %dma_start3A_96] : memref<8x128xi32, #tpu.memory_space<vmem>> -> memref<1x128xi32, #tpu.memory_space<vmem>>
      %dma_start3A_98 = tpu.memref_squeeze %dma_start3A_97 : memref<1x128xi32, #tpu.memory_space<vmem>> -> memref<128xi32, #tpu.memory_space<vmem>>
      %dma_start3A_99 = arith.constant 0 : i32
      %dma_start3A_100 = tpu.memref_slice %arg25[%dma_start3A_99] : memref<1000000xf32, #tpu.memory_space<vmem_shared>> -> memref<1000000xf32, #tpu.memory_space<vmem_shared>>
      tpu.enqueue_indirect_dma source(%dma_start3A_100 : memref<1000000xf32, #tpu.memory_space<vmem_shared>>) target(%dma_start3A_95 : memref<128xf32, #tpu.memory_space<vmem>>) offsets(%dma_start3A_98 : memref<128xi32, #tpu.memory_space<vmem>>) semaphore(%arg28 : memref<!tpu.dma_semaphore, #tpu.memory_space<semaphore_mem>>)
      %dma_start3A_101 = arith.constant 1 : i32
      %dma_start3A_102 = arith.constant 128 : i32
      %dma_start3A_103 = tpu.memref_slice %arg18[%dma_start3A_102] : memref<1024xf32, #tpu.memory_space<vmem>> -> memref<128xf32, #tpu.memory_space<vmem>>
      %dma_start3A_104 = arith.constant 0 : i32
      %dma_start3A_105 = tpu.memref_slice %arg12[%dma_start3A_101, %dma_start3A_104] : memref<8x128xi32, #tpu.memory_space<vmem>> -> memref<1x128xi32, #tpu.memory_space<vmem>>
      %dma_start3A_106 = tpu.memref_squeeze %dma_start3A_105 : memref<1x128xi32, #tpu.memory_space<vmem>> -> memref<128xi32, #tpu.memory_space<vmem>>
      %dma_start3A_107 = arith.constant 0 : i32
      %dma_start3A_108 = tpu.memref_slice %arg25[%dma_start3A_107] : memref<1000000xf32, #tpu.memory_space<vmem_shared>> -> memref<1000000xf32, #tpu.memory_space<vmem_shared>>
      tpu.enqueue_indirect_dma source(%dma_start3A_108 : memref<1000000xf32, #tpu.memory_space<vmem_shared>>) target(%dma_start3A_103 : memref<128xf32, #tpu.memory_space<vmem>>) offsets(%dma_start3A_106 : memref<128xi32, #tpu.memory_space<vmem>>) semaphore(%arg28 : memref<!tpu.dma_semaphore, #tpu.memory_space<semaphore_mem>>)
      %dma_start3A_109 = arith.constant 2 : i32
      %dma_start3A_110 = arith.constant 256 : i32
      %dma_start3A_111 = tpu.memref_slice %arg18[%dma_start3A_110] : memref<1024xf32, #tpu.memory_space<vmem>> -> memref<128xf32, #tpu.memory_space<vmem>>
      %dma_start3A_112 = arith.constant 0 : i32
      %dma_start3A_113 = tpu.memref_slice %arg12[%dma_start3A_109, %dma_start3A_112] : memref<8x128xi32, #tpu.memory_space<vmem>> -> memref<1x128xi32, #tpu.memory_space<vmem>>
      %dma_start3A_114 = tpu.memref_squeeze %dma_start3A_113 : memref<1x128xi32, #tpu.memory_space<vmem>> -> memref<128xi32, #tpu.memory_space<vmem>>
      %dma_start3A_115 = arith.constant 0 : i32
      %dma_start3A_116 = tpu.memref_slice %arg25[%dma_start3A_115] : memref<1000000xf32, #tpu.memory_space<vmem_shared>> -> memref<1000000xf32, #tpu.memory_space<vmem_shared>>
      tpu.enqueue_indirect_dma source(%dma_start3A_116 : memref<1000000xf32, #tpu.memory_space<vmem_shared>>) target(%dma_start3A_111 : memref<128xf32, #tpu.memory_space<vmem>>) offsets(%dma_start3A_114 : memref<128xi32, #tpu.memory_space<vmem>>) semaphore(%arg28 : memref<!tpu.dma_semaphore, #tpu.memory_space<semaphore_mem>>)
      %dma_start3A_117 = arith.constant 3 : i32
      %dma_start3A_118 = arith.constant 384 : i32
      %dma_start3A_119 = tpu.memref_slice %arg18[%dma_start3A_118] : memref<1024xf32, #tpu.memory_space<vmem>> -> memref<128xf32, #tpu.memory_space<vmem>>
      %dma_start3A_120 = arith.constant 0 : i32
      %dma_start3A_121 = tpu.memref_slice %arg12[%dma_start3A_117, %dma_start3A_120] : memref<8x128xi32, #tpu.memory_space<vmem>> -> memref<1x128xi32, #tpu.memory_space<vmem>>
      %dma_start3A_122 = tpu.memref_squeeze %dma_start3A_121 : memref<1x128xi32, #tpu.memory_space<vmem>> -> memref<128xi32, #tpu.memory_space<vmem>>
      %dma_start3A_123 = arith.constant 0 : i32
      %dma_start3A_124 = tpu.memref_slice %arg25[%dma_start3A_123] : memref<1000000xf32, #tpu.memory_space<vmem_shared>> -> memref<1000000xf32, #tpu.memory_space<vmem_shared>>
      tpu.enqueue_indirect_dma source(%dma_start3A_124 : memref<1000000xf32, #tpu.memory_space<vmem_shared>>) target(%dma_start3A_119 : memref<128xf32, #tpu.memory_space<vmem>>) offsets(%dma_start3A_122 : memref<128xi32, #tpu.memory_space<vmem>>) semaphore(%arg28 : memref<!tpu.dma_semaphore, #tpu.memory_space<semaphore_mem>>)
      %dma_start3A_125 = arith.constant 4 : i32
      %dma_start3A_126 = arith.constant 512 : i32
      %dma_start3A_127 = tpu.memref_slice %arg18[%dma_start3A_126] : memref<1024xf32, #tpu.memory_space<vmem>> -> memref<128xf32, #tpu.memory_space<vmem>>
      %dma_start3A_128 = arith.constant 0 : i32
      %dma_start3A_129 = tpu.memref_slice %arg12[%dma_start3A_125, %dma_start3A_128] : memref<8x128xi32, #tpu.memory_space<vmem>> -> memref<1x128xi32, #tpu.memory_space<vmem>>
      %dma_start3A_130 = tpu.memref_squeeze %dma_start3A_129 : memref<1x128xi32, #tpu.memory_space<vmem>> -> memref<128xi32, #tpu.memory_space<vmem>>
      %dma_start3A_131 = arith.constant 0 : i32
      %dma_start3A_132 = tpu.memref_slice %arg25[%dma_start3A_131] : memref<1000000xf32, #tpu.memory_space<vmem_shared>> -> memref<1000000xf32, #tpu.memory_space<vmem_shared>>
      tpu.enqueue_indirect_dma source(%dma_start3A_132 : memref<1000000xf32, #tpu.memory_space<vmem_shared>>) target(%dma_start3A_127 : memref<128xf32, #tpu.memory_space<vmem>>) offsets(%dma_start3A_130 : memref<128xi32, #tpu.memory_space<vmem>>) semaphore(%arg28 : memref<!tpu.dma_semaphore, #tpu.memory_space<semaphore_mem>>)
      %dma_start3A_133 = arith.constant 5 : i32
      %dma_start3A_134 = arith.constant 640 : i32
      %dma_start3A_135 = tpu.memref_slice %arg18[%dma_start3A_134] : memref<1024xf32, #tpu.memory_space<vmem>> -> memref<128xf32, #tpu.memory_space<vmem>>
      %dma_start3A_136 = arith.constant 0 : i32
      %dma_start3A_137 = tpu.memref_slice %arg12[%dma_start3A_133, %dma_start3A_136] : memref<8x128xi32, #tpu.memory_space<vmem>> -> memref<1x128xi32, #tpu.memory_space<vmem>>
      %dma_start3A_138 = tpu.memref_squeeze %dma_start3A_137 : memref<1x128xi32, #tpu.memory_space<vmem>> -> memref<128xi32, #tpu.memory_space<vmem>>
      %dma_start3A_139 = arith.constant 0 : i32
      %dma_start3A_140 = tpu.memref_slice %arg25[%dma_start3A_139] : memref<1000000xf32, #tpu.memory_space<vmem_shared>> -> memref<1000000xf32, #tpu.memory_space<vmem_shared>>
      tpu.enqueue_indirect_dma source(%dma_start3A_140 : memref<1000000xf32, #tpu.memory_space<vmem_shared>>) target(%dma_start3A_135 : memref<128xf32, #tpu.memory_space<vmem>>) offsets(%dma_start3A_138 : memref<128xi32, #tpu.memory_space<vmem>>) semaphore(%arg28 : memref<!tpu.dma_semaphore, #tpu.memory_space<semaphore_mem>>)
      %dma_start3A_141 = arith.constant 6 : i32
      %dma_start3A_142 = arith.constant 768 : i32
      %dma_start3A_143 = tpu.memref_slice %arg18[%dma_start3A_142] : memref<1024xf32, #tpu.memory_space<vmem>> -> memref<128xf32, #tpu.memory_space<vmem>>
      %dma_start3A_144 = arith.constant 0 : i32
      %dma_start3A_145 = tpu.memref_slice %arg12[%dma_start3A_141, %dma_start3A_144] : memref<8x128xi32, #tpu.memory_space<vmem>> -> memref<1x128xi32, #tpu.memory_space<vmem>>
      %dma_start3A_146 = tpu.memref_squeeze %dma_start3A_145 : memref<1x128xi32, #tpu.memory_space<vmem>> -> memref<128xi32, #tpu.memory_space<vmem>>
      %dma_start3A_147 = arith.constant 0 : i32
      %dma_start3A_148 = tpu.memref_slice %arg25[%dma_start3A_147] : memref<1000000xf32, #tpu.memory_space<vmem_shared>> -> memref<1000000xf32, #tpu.memory_space<vmem_shared>>
      tpu.enqueue_indirect_dma source(%dma_start3A_148 : memref<1000000xf32, #tpu.memory_space<vmem_shared>>) target(%dma_start3A_143 : memref<128xf32, #tpu.memory_space<vmem>>) offsets(%dma_start3A_146 : memref<128xi32, #tpu.memory_space<vmem>>) semaphore(%arg28 : memref<!tpu.dma_semaphore, #tpu.memory_space<semaphore_mem>>)
      %dma_start3A_149 = arith.constant 7 : i32
      %dma_start3A_150 = arith.constant 896 : i32
      %dma_start3A_151 = tpu.memref_slice %arg18[%dma_start3A_150] : memref<1024xf32, #tpu.memory_space<vmem>> -> memref<128xf32, #tpu.memory_space<vmem>>
      %dma_start3A_152 = arith.constant 0 : i32
      %dma_start3A_153 = tpu.memref_slice %arg12[%dma_start3A_149, %dma_start3A_152] : memref<8x128xi32, #tpu.memory_space<vmem>> -> memref<1x128xi32, #tpu.memory_space<vmem>>
      %dma_start3A_154 = tpu.memref_squeeze %dma_start3A_153 : memref<1x128xi32, #tpu.memory_space<vmem>> -> memref<128xi32, #tpu.memory_space<vmem>>
      %dma_start3A_155 = arith.constant 0 : i32
      %dma_start3A_156 = tpu.memref_slice %arg25[%dma_start3A_155] : memref<1000000xf32, #tpu.memory_space<vmem_shared>> -> memref<1000000xf32, #tpu.memory_space<vmem_shared>>
      tpu.enqueue_indirect_dma source(%dma_start3A_156 : memref<1000000xf32, #tpu.memory_space<vmem_shared>>) target(%dma_start3A_151 : memref<128xf32, #tpu.memory_space<vmem>>) offsets(%dma_start3A_154 : memref<128xi32, #tpu.memory_space<vmem>>) semaphore(%arg28 : memref<!tpu.dma_semaphore, #tpu.memory_space<semaphore_mem>>)
      %dma_start3A_157 = arith.constant 0 : i32
      %dma_start3A_158 = arith.constant 0 : i32
      %dma_start3A_159 = tpu.memref_slice %arg20[%dma_start3A_158] : memref<1024xf32, #tpu.memory_space<vmem>> -> memref<128xf32, #tpu.memory_space<vmem>>
      %dma_start3A_160 = arith.constant 0 : i32
      %dma_start3A_161 = tpu.memref_slice %arg14[%dma_start3A_157, %dma_start3A_160] : memref<8x128xi32, #tpu.memory_space<vmem>> -> memref<1x128xi32, #tpu.memory_space<vmem>>
      %dma_start3A_162 = tpu.memref_squeeze %dma_start3A_161 : memref<1x128xi32, #tpu.memory_space<vmem>> -> memref<128xi32, #tpu.memory_space<vmem>>
      %dma_start3A_163 = arith.constant 0 : i32
      %dma_start3A_164 = tpu.memref_slice %arg25[%dma_start3A_163] : memref<1000000xf32, #tpu.memory_space<vmem_shared>> -> memref<1000000xf32, #tpu.memory_space<vmem_shared>>
      tpu.enqueue_indirect_dma source(%dma_start3A_164 : memref<1000000xf32, #tpu.memory_space<vmem_shared>>) target(%dma_start3A_159 : memref<128xf32, #tpu.memory_space<vmem>>) offsets(%dma_start3A_162 : memref<128xi32, #tpu.memory_space<vmem>>) semaphore(%arg28 : memref<!tpu.dma_semaphore, #tpu.memory_space<semaphore_mem>>)
      %dma_start3A_165 = arith.constant 1 : i32
      %dma_start3A_166 = arith.constant 128 : i32
      %dma_start3A_167 = tpu.memref_slice %arg20[%dma_start3A_166] : memref<1024xf32, #tpu.memory_space<vmem>> -> memref<128xf32, #tpu.memory_space<vmem>>
      %dma_start3A_168 = arith.constant 0 : i32
      %dma_start3A_169 = tpu.memref_slice %arg14[%dma_start3A_165, %dma_start3A_168] : memref<8x128xi32, #tpu.memory_space<vmem>> -> memref<1x128xi32, #tpu.memory_space<vmem>>
      %dma_start3A_170 = tpu.memref_squeeze %dma_start3A_169 : memref<1x128xi32, #tpu.memory_space<vmem>> -> memref<128xi32, #tpu.memory_space<vmem>>
      %dma_start3A_171 = arith.constant 0 : i32
      %dma_start3A_172 = tpu.memref_slice %arg25[%dma_start3A_171] : memref<1000000xf32, #tpu.memory_space<vmem_shared>> -> memref<1000000xf32, #tpu.memory_space<vmem_shared>>
      tpu.enqueue_indirect_dma source(%dma_start3A_172 : memref<1000000xf32, #tpu.memory_space<vmem_shared>>) target(%dma_start3A_167 : memref<128xf32, #tpu.memory_space<vmem>>) offsets(%dma_start3A_170 : memref<128xi32, #tpu.memory_space<vmem>>) semaphore(%arg28 : memref<!tpu.dma_semaphore, #tpu.memory_space<semaphore_mem>>)
      %dma_start3A_173 = arith.constant 2 : i32
      %dma_start3A_174 = arith.constant 256 : i32
      %dma_start3A_175 = tpu.memref_slice %arg20[%dma_start3A_174] : memref<1024xf32, #tpu.memory_space<vmem>> -> memref<128xf32, #tpu.memory_space<vmem>>
      %dma_start3A_176 = arith.constant 0 : i32
      %dma_start3A_177 = tpu.memref_slice %arg14[%dma_start3A_173, %dma_start3A_176] : memref<8x128xi32, #tpu.memory_space<vmem>> -> memref<1x128xi32, #tpu.memory_space<vmem>>
      %dma_start3A_178 = tpu.memref_squeeze %dma_start3A_177 : memref<1x128xi32, #tpu.memory_space<vmem>> -> memref<128xi32, #tpu.memory_space<vmem>>
      %dma_start3A_179 = arith.constant 0 : i32
      %dma_start3A_180 = tpu.memref_slice %arg25[%dma_start3A_179] : memref<1000000xf32, #tpu.memory_space<vmem_shared>> -> memref<1000000xf32, #tpu.memory_space<vmem_shared>>
      tpu.enqueue_indirect_dma source(%dma_start3A_180 : memref<1000000xf32, #tpu.memory_space<vmem_shared>>) target(%dma_start3A_175 : memref<128xf32, #tpu.memory_space<vmem>>) offsets(%dma_start3A_178 : memref<128xi32, #tpu.memory_space<vmem>>) semaphore(%arg28 : memref<!tpu.dma_semaphore, #tpu.memory_space<semaphore_mem>>)
      %dma_start3A_181 = arith.constant 3 : i32
      %dma_start3A_182 = arith.constant 384 : i32
      %dma_start3A_183 = tpu.memref_slice %arg20[%dma_start3A_182] : memref<1024xf32, #tpu.memory_space<vmem>> -> memref<128xf32, #tpu.memory_space<vmem>>
      %dma_start3A_184 = arith.constant 0 : i32
      %dma_start3A_185 = tpu.memref_slice %arg14[%dma_start3A_181, %dma_start3A_184] : memref<8x128xi32, #tpu.memory_space<vmem>> -> memref<1x128xi32, #tpu.memory_space<vmem>>
      %dma_start3A_186 = tpu.memref_squeeze %dma_start3A_185 : memref<1x128xi32, #tpu.memory_space<vmem>> -> memref<128xi32, #tpu.memory_space<vmem>>
      %dma_start3A_187 = arith.constant 0 : i32
      %dma_start3A_188 = tpu.memref_slice %arg25[%dma_start3A_187] : memref<1000000xf32, #tpu.memory_space<vmem_shared>> -> memref<1000000xf32, #tpu.memory_space<vmem_shared>>
      tpu.enqueue_indirect_dma source(%dma_start3A_188 : memref<1000000xf32, #tpu.memory_space<vmem_shared>>) target(%dma_start3A_183 : memref<128xf32, #tpu.memory_space<vmem>>) offsets(%dma_start3A_186 : memref<128xi32, #tpu.memory_space<vmem>>) semaphore(%arg28 : memref<!tpu.dma_semaphore, #tpu.memory_space<semaphore_mem>>)
      %dma_start3A_189 = arith.constant 4 : i32
      %dma_start3A_190 = arith.constant 512 : i32
      %dma_start3A_191 = tpu.memref_slice %arg20[%dma_start3A_190] : memref<1024xf32, #tpu.memory_space<vmem>> -> memref<128xf32, #tpu.memory_space<vmem>>
      %dma_start3A_192 = arith.constant 0 : i32
      %dma_start3A_193 = tpu.memref_slice %arg14[%dma_start3A_189, %dma_start3A_192] : memref<8x128xi32, #tpu.memory_space<vmem>> -> memref<1x128xi32, #tpu.memory_space<vmem>>
      %dma_start3A_194 = tpu.memref_squeeze %dma_start3A_193 : memref<1x128xi32, #tpu.memory_space<vmem>> -> memref<128xi32, #tpu.memory_space<vmem>>
      %dma_start3A_195 = arith.constant 0 : i32
      %dma_start3A_196 = tpu.memref_slice %arg25[%dma_start3A_195] : memref<1000000xf32, #tpu.memory_space<vmem_shared>> -> memref<1000000xf32, #tpu.memory_space<vmem_shared>>
      tpu.enqueue_indirect_dma source(%dma_start3A_196 : memref<1000000xf32, #tpu.memory_space<vmem_shared>>) target(%dma_start3A_191 : memref<128xf32, #tpu.memory_space<vmem>>) offsets(%dma_start3A_194 : memref<128xi32, #tpu.memory_space<vmem>>) semaphore(%arg28 : memref<!tpu.dma_semaphore, #tpu.memory_space<semaphore_mem>>)
      %dma_start3A_197 = arith.constant 5 : i32
      %dma_start3A_198 = arith.constant 640 : i32
      %dma_start3A_199 = tpu.memref_slice %arg20[%dma_start3A_198] : memref<1024xf32, #tpu.memory_space<vmem>> -> memref<128xf32, #tpu.memory_space<vmem>>
      %dma_start3A_200 = arith.constant 0 : i32
      %dma_start3A_201 = tpu.memref_slice %arg14[%dma_start3A_197, %dma_start3A_200] : memref<8x128xi32, #tpu.memory_space<vmem>> -> memref<1x128xi32, #tpu.memory_space<vmem>>
      %dma_start3A_202 = tpu.memref_squeeze %dma_start3A_201 : memref<1x128xi32, #tpu.memory_space<vmem>> -> memref<128xi32, #tpu.memory_space<vmem>>
      %dma_start3A_203 = arith.constant 0 : i32
      %dma_start3A_204 = tpu.memref_slice %arg25[%dma_start3A_203] : memref<1000000xf32, #tpu.memory_space<vmem_shared>> -> memref<1000000xf32, #tpu.memory_space<vmem_shared>>
      tpu.enqueue_indirect_dma source(%dma_start3A_204 : memref<1000000xf32, #tpu.memory_space<vmem_shared>>) target(%dma_start3A_199 : memref<128xf32, #tpu.memory_space<vmem>>) offsets(%dma_start3A_202 : memref<128xi32, #tpu.memory_space<vmem>>) semaphore(%arg28 : memref<!tpu.dma_semaphore, #tpu.memory_space<semaphore_mem>>)
      %dma_start3A_205 = arith.constant 6 : i32
      %dma_start3A_206 = arith.constant 768 : i32
      %dma_start3A_207 = tpu.memref_slice %arg20[%dma_start3A_206] : memref<1024xf32, #tpu.memory_space<vmem>> -> memref<128xf32, #tpu.memory_space<vmem>>
      %dma_start3A_208 = arith.constant 0 : i32
      %dma_start3A_209 = tpu.memref_slice %arg14[%dma_start3A_205, %dma_start3A_208] : memref<8x128xi32, #tpu.memory_space<vmem>> -> memref<1x128xi32, #tpu.memory_space<vmem>>
      %dma_start3A_210 = tpu.memref_squeeze %dma_start3A_209 : memref<1x128xi32, #tpu.memory_space<vmem>> -> memref<128xi32, #tpu.memory_space<vmem>>
      %dma_start3A_211 = arith.constant 0 : i32
      %dma_start3A_212 = tpu.memref_slice %arg25[%dma_start3A_211] : memref<1000000xf32, #tpu.memory_space<vmem_shared>> -> memref<1000000xf32, #tpu.memory_space<vmem_shared>>
      tpu.enqueue_indirect_dma source(%dma_start3A_212 : memref<1000000xf32, #tpu.memory_space<vmem_shared>>) target(%dma_start3A_207 : memref<128xf32, #tpu.memory_space<vmem>>) offsets(%dma_start3A_210 : memref<128xi32, #tpu.memory_space<vmem>>) semaphore(%arg28 : memref<!tpu.dma_semaphore, #tpu.memory_space<semaphore_mem>>)
      %dma_start3A_213 = arith.constant 7 : i32
      %dma_start3A_214 = arith.constant 896 : i32
      %dma_start3A_215 = tpu.memref_slice %arg20[%dma_start3A_214] : memref<1024xf32, #tpu.memory_space<vmem>> -> memref<128xf32, #tpu.memory_space<vmem>>
      %dma_start3A_216 = arith.constant 0 : i32
      %dma_start3A_217 = tpu.memref_slice %arg14[%dma_start3A_213, %dma_start3A_216] : memref<8x128xi32, #tpu.memory_space<vmem>> -> memref<1x128xi32, #tpu.memory_space<vmem>>
      %dma_start3A_218 = tpu.memref_squeeze %dma_start3A_217 : memref<1x128xi32, #tpu.memory_space<vmem>> -> memref<128xi32, #tpu.memory_space<vmem>>
      %dma_start3A_219 = arith.constant 0 : i32
      %dma_start3A_220 = tpu.memref_slice %arg25[%dma_start3A_219] : memref<1000000xf32, #tpu.memory_space<vmem_shared>> -> memref<1000000xf32, #tpu.memory_space<vmem_shared>>
      tpu.enqueue_indirect_dma source(%dma_start3A_220 : memref<1000000xf32, #tpu.memory_space<vmem_shared>>) target(%dma_start3A_215 : memref<128xf32, #tpu.memory_space<vmem>>) offsets(%dma_start3A_218 : memref<128xi32, #tpu.memory_space<vmem>>) semaphore(%arg28 : memref<!tpu.dma_semaphore, #tpu.memory_space<semaphore_mem>>)
      %dma_start3A_221 = arith.constant 0 : i32
      %dma_start3A_222 = arith.constant 0 : i32
      %dma_start3A_223 = tpu.memref_slice %arg21[%dma_start3A_222] : memref<1024xf32, #tpu.memory_space<vmem>> -> memref<128xf32, #tpu.memory_space<vmem>>
      %dma_start3A_224 = arith.constant 0 : i32
      %dma_start3A_225 = tpu.memref_slice %arg15[%dma_start3A_221, %dma_start3A_224] : memref<8x128xi32, #tpu.memory_space<vmem>> -> memref<1x128xi32, #tpu.memory_space<vmem>>
      %dma_start3A_226 = tpu.memref_squeeze %dma_start3A_225 : memref<1x128xi32, #tpu.memory_space<vmem>> -> memref<128xi32, #tpu.memory_space<vmem>>
      %dma_start3A_227 = arith.constant 0 : i32
      %dma_start3A_228 = tpu.memref_slice %arg25[%dma_start3A_227] : memref<1000000xf32, #tpu.memory_space<vmem_shared>> -> memref<1000000xf32, #tpu.memory_space<vmem_shared>>
      tpu.enqueue_indirect_dma source(%dma_start3A_228 : memref<1000000xf32, #tpu.memory_space<vmem_shared>>) target(%dma_start3A_223 : memref<128xf32, #tpu.memory_space<vmem>>) offsets(%dma_start3A_226 : memref<128xi32, #tpu.memory_space<vmem>>) semaphore(%arg28 : memref<!tpu.dma_semaphore, #tpu.memory_space<semaphore_mem>>)
      %dma_start3A_229 = arith.constant 1 : i32
      %dma_start3A_230 = arith.constant 128 : i32
      %dma_start3A_231 = tpu.memref_slice %arg21[%dma_start3A_230] : memref<1024xf32, #tpu.memory_space<vmem>> -> memref<128xf32, #tpu.memory_space<vmem>>
      %dma_start3A_232 = arith.constant 0 : i32
      %dma_start3A_233 = tpu.memref_slice %arg15[%dma_start3A_229, %dma_start3A_232] : memref<8x128xi32, #tpu.memory_space<vmem>> -> memref<1x128xi32, #tpu.memory_space<vmem>>
      %dma_start3A_234 = tpu.memref_squeeze %dma_start3A_233 : memref<1x128xi32, #tpu.memory_space<vmem>> -> memref<128xi32, #tpu.memory_space<vmem>>
      %dma_start3A_235 = arith.constant 0 : i32
      %dma_start3A_236 = tpu.memref_slice %arg25[%dma_start3A_235] : memref<1000000xf32, #tpu.memory_space<vmem_shared>> -> memref<1000000xf32, #tpu.memory_space<vmem_shared>>
      tpu.enqueue_indirect_dma source(%dma_start3A_236 : memref<1000000xf32, #tpu.memory_space<vmem_shared>>) target(%dma_start3A_231 : memref<128xf32, #tpu.memory_space<vmem>>) offsets(%dma_start3A_234 : memref<128xi32, #tpu.memory_space<vmem>>) semaphore(%arg28 : memref<!tpu.dma_semaphore, #tpu.memory_space<semaphore_mem>>)
      %dma_start3A_237 = arith.constant 2 : i32
      %dma_start3A_238 = arith.constant 256 : i32
      %dma_start3A_239 = tpu.memref_slice %arg21[%dma_start3A_238] : memref<1024xf32, #tpu.memory_space<vmem>> -> memref<128xf32, #tpu.memory_space<vmem>>
      %dma_start3A_240 = arith.constant 0 : i32
      %dma_start3A_241 = tpu.memref_slice %arg15[%dma_start3A_237, %dma_start3A_240] : memref<8x128xi32, #tpu.memory_space<vmem>> -> memref<1x128xi32, #tpu.memory_space<vmem>>
      %dma_start3A_242 = tpu.memref_squeeze %dma_start3A_241 : memref<1x128xi32, #tpu.memory_space<vmem>> -> memref<128xi32, #tpu.memory_space<vmem>>
      %dma_start3A_243 = arith.constant 0 : i32
      %dma_start3A_244 = tpu.memref_slice %arg25[%dma_start3A_243] : memref<1000000xf32, #tpu.memory_space<vmem_shared>> -> memref<1000000xf32, #tpu.memory_space<vmem_shared>>
      tpu.enqueue_indirect_dma source(%dma_start3A_244 : memref<1000000xf32, #tpu.memory_space<vmem_shared>>) target(%dma_start3A_239 : memref<128xf32, #tpu.memory_space<vmem>>) offsets(%dma_start3A_242 : memref<128xi32, #tpu.memory_space<vmem>>) semaphore(%arg28 : memref<!tpu.dma_semaphore, #tpu.memory_space<semaphore_mem>>)
      %dma_start3A_245 = arith.constant 3 : i32
      %dma_start3A_246 = arith.constant 384 : i32
      %dma_start3A_247 = tpu.memref_slice %arg21[%dma_start3A_246] : memref<1024xf32, #tpu.memory_space<vmem>> -> memref<128xf32, #tpu.memory_space<vmem>>
      %dma_start3A_248 = arith.constant 0 : i32
      %dma_start3A_249 = tpu.memref_slice %arg15[%dma_start3A_245, %dma_start3A_248] : memref<8x128xi32, #tpu.memory_space<vmem>> -> memref<1x128xi32, #tpu.memory_space<vmem>>
      %dma_start3A_250 = tpu.memref_squeeze %dma_start3A_249 : memref<1x128xi32, #tpu.memory_space<vmem>> -> memref<128xi32, #tpu.memory_space<vmem>>
      %dma_start3A_251 = arith.constant 0 : i32
      %dma_start3A_252 = tpu.memref_slice %arg25[%dma_start3A_251] : memref<1000000xf32, #tpu.memory_space<vmem_shared>> -> memref<1000000xf32, #tpu.memory_space<vmem_shared>>
      tpu.enqueue_indirect_dma source(%dma_start3A_252 : memref<1000000xf32, #tpu.memory_space<vmem_shared>>) target(%dma_start3A_247 : memref<128xf32, #tpu.memory_space<vmem>>) offsets(%dma_start3A_250 : memref<128xi32, #tpu.memory_space<vmem>>) semaphore(%arg28 : memref<!tpu.dma_semaphore, #tpu.memory_space<semaphore_mem>>)
      %dma_start3A_253 = arith.constant 4 : i32
      %dma_start3A_254 = arith.constant 512 : i32
      %dma_start3A_255 = tpu.memref_slice %arg21[%dma_start3A_254] : memref<1024xf32, #tpu.memory_space<vmem>> -> memref<128xf32, #tpu.memory_space<vmem>>
      %dma_start3A_256 = arith.constant 0 : i32
      %dma_start3A_257 = tpu.memref_slice %arg15[%dma_start3A_253, %dma_start3A_256] : memref<8x128xi32, #tpu.memory_space<vmem>> -> memref<1x128xi32, #tpu.memory_space<vmem>>
      %dma_start3A_258 = tpu.memref_squeeze %dma_start3A_257 : memref<1x128xi32, #tpu.memory_space<vmem>> -> memref<128xi32, #tpu.memory_space<vmem>>
      %dma_start3A_259 = arith.constant 0 : i32
      %dma_start3A_260 = tpu.memref_slice %arg25[%dma_start3A_259] : memref<1000000xf32, #tpu.memory_space<vmem_shared>> -> memref<1000000xf32, #tpu.memory_space<vmem_shared>>
      tpu.enqueue_indirect_dma source(%dma_start3A_260 : memref<1000000xf32, #tpu.memory_space<vmem_shared>>) target(%dma_start3A_255 : memref<128xf32, #tpu.memory_space<vmem>>) offsets(%dma_start3A_258 : memref<128xi32, #tpu.memory_space<vmem>>) semaphore(%arg28 : memref<!tpu.dma_semaphore, #tpu.memory_space<semaphore_mem>>)
      %dma_start3A_261 = arith.constant 5 : i32
      %dma_start3A_262 = arith.constant 640 : i32
      %dma_start3A_263 = tpu.memref_slice %arg21[%dma_start3A_262] : memref<1024xf32, #tpu.memory_space<vmem>> -> memref<128xf32, #tpu.memory_space<vmem>>
      %dma_start3A_264 = arith.constant 0 : i32
      %dma_start3A_265 = tpu.memref_slice %arg15[%dma_start3A_261, %dma_start3A_264] : memref<8x128xi32, #tpu.memory_space<vmem>> -> memref<1x128xi32, #tpu.memory_space<vmem>>
      %dma_start3A_266 = tpu.memref_squeeze %dma_start3A_265 : memref<1x128xi32, #tpu.memory_space<vmem>> -> memref<128xi32, #tpu.memory_space<vmem>>
      %dma_start3A_267 = arith.constant 0 : i32
      %dma_start3A_268 = tpu.memref_slice %arg25[%dma_start3A_267] : memref<1000000xf32, #tpu.memory_space<vmem_shared>> -> memref<1000000xf32, #tpu.memory_space<vmem_shared>>
      tpu.enqueue_indirect_dma source(%dma_start3A_268 : memref<1000000xf32, #tpu.memory_space<vmem_shared>>) target(%dma_start3A_263 : memref<128xf32, #tpu.memory_space<vmem>>) offsets(%dma_start3A_266 : memref<128xi32, #tpu.memory_space<vmem>>) semaphore(%arg28 : memref<!tpu.dma_semaphore, #tpu.memory_space<semaphore_mem>>)
      %dma_start3A_269 = arith.constant 6 : i32
      %dma_start3A_270 = arith.constant 768 : i32
      %dma_start3A_271 = tpu.memref_slice %arg21[%dma_start3A_270] : memref<1024xf32, #tpu.memory_space<vmem>> -> memref<128xf32, #tpu.memory_space<vmem>>
      %dma_start3A_272 = arith.constant 0 : i32
      %dma_start3A_273 = tpu.memref_slice %arg15[%dma_start3A_269, %dma_start3A_272] : memref<8x128xi32, #tpu.memory_space<vmem>> -> memref<1x128xi32, #tpu.memory_space<vmem>>
      %dma_start3A_274 = tpu.memref_squeeze %dma_start3A_273 : memref<1x128xi32, #tpu.memory_space<vmem>> -> memref<128xi32, #tpu.memory_space<vmem>>
      %dma_start3A_275 = arith.constant 0 : i32
      %dma_start3A_276 = tpu.memref_slice %arg25[%dma_start3A_275] : memref<1000000xf32, #tpu.memory_space<vmem_shared>> -> memref<1000000xf32, #tpu.memory_space<vmem_shared>>
      tpu.enqueue_indirect_dma source(%dma_start3A_276 : memref<1000000xf32, #tpu.memory_space<vmem_shared>>) target(%dma_start3A_271 : memref<128xf32, #tpu.memory_space<vmem>>) offsets(%dma_start3A_274 : memref<128xi32, #tpu.memory_space<vmem>>) semaphore(%arg28 : memref<!tpu.dma_semaphore, #tpu.memory_space<semaphore_mem>>)
      %dma_start3A_277 = arith.constant 7 : i32
      %dma_start3A_278 = arith.constant 896 : i32
      %dma_start3A_279 = tpu.memref_slice %arg21[%dma_start3A_278] : memref<1024xf32, #tpu.memory_space<vmem>> -> memref<128xf32, #tpu.memory_space<vmem>>
      %dma_start3A_280 = arith.constant 0 : i32
      %dma_start3A_281 = tpu.memref_slice %arg15[%dma_start3A_277, %dma_start3A_280] : memref<8x128xi32, #tpu.memory_space<vmem>> -> memref<1x128xi32, #tpu.memory_space<vmem>>
      %dma_start3A_282 = tpu.memref_squeeze %dma_start3A_281 : memref<1x128xi32, #tpu.memory_space<vmem>> -> memref<128xi32, #tpu.memory_space<vmem>>
      %dma_start3A_283 = arith.constant 0 : i32
      %dma_start3A_284 = tpu.memref_slice %arg25[%dma_start3A_283] : memref<1000000xf32, #tpu.memory_space<vmem_shared>> -> memref<1000000xf32, #tpu.memory_space<vmem_shared>>
      tpu.enqueue_indirect_dma source(%dma_start3A_284 : memref<1000000xf32, #tpu.memory_space<vmem_shared>>) target(%dma_start3A_279 : memref<128xf32, #tpu.memory_space<vmem>>) offsets(%dma_start3A_282 : memref<128xi32, #tpu.memory_space<vmem>>) semaphore(%arg28 : memref<!tpu.dma_semaphore, #tpu.memory_space<semaphore_mem>>)
      %dma_wait3A = arith.constant 0 : i32
      %dma_wait3A_285 = arith.constant 0 : i32
      %dma_wait3A_286 = tpu.memref_slice %arg17[%dma_wait3A_285] : memref<1024xf32, #tpu.memory_space<vmem>> -> memref<128xf32, #tpu.memory_space<vmem>>
      %dma_wait3A_287 = arith.constant 0 : i32
      %dma_wait3A_288 = tpu.memref_slice %arg11[%dma_wait3A, %dma_wait3A_287] : memref<8x128xi32, #tpu.memory_space<vmem>> -> memref<1x128xi32, #tpu.memory_space<vmem>>
      %dma_wait3A_289 = tpu.memref_squeeze %dma_wait3A_288 : memref<1x128xi32, #tpu.memory_space<vmem>> -> memref<128xi32, #tpu.memory_space<vmem>>
      %dma_wait3A_290 = arith.constant 0 : i32
      %dma_wait3A_291 = tpu.memref_slice %arg25[%dma_wait3A_290] : memref<1000000xf32, #tpu.memory_space<vmem_shared>> -> memref<1000000xf32, #tpu.memory_space<vmem_shared>>
      tpu.wait_indirect_dma semaphore(%arg28 : memref<!tpu.dma_semaphore, #tpu.memory_space<semaphore_mem>>) src(%dma_wait3A_291 : memref<1000000xf32, #tpu.memory_space<vmem_shared>>) dst(%dma_wait3A_286 : memref<128xf32, #tpu.memory_space<vmem>>)
      %dma_wait3A_292 = arith.constant 1 : i32
      %dma_wait3A_293 = arith.constant 128 : i32
      %dma_wait3A_294 = tpu.memref_slice %arg17[%dma_wait3A_293] : memref<1024xf32, #tpu.memory_space<vmem>> -> memref<128xf32, #tpu.memory_space<vmem>>
      %dma_wait3A_295 = arith.constant 0 : i32
      %dma_wait3A_296 = tpu.memref_slice %arg11[%dma_wait3A_292, %dma_wait3A_295] : memref<8x128xi32, #tpu.memory_space<vmem>> -> memref<1x128xi32, #tpu.memory_space<vmem>>
      %dma_wait3A_297 = tpu.memref_squeeze %dma_wait3A_296 : memref<1x128xi32, #tpu.memory_space<vmem>> -> memref<128xi32, #tpu.memory_space<vmem>>
      %dma_wait3A_298 = arith.constant 0 : i32
      %dma_wait3A_299 = tpu.memref_slice %arg25[%dma_wait3A_298] : memref<1000000xf32, #tpu.memory_space<vmem_shared>> -> memref<1000000xf32, #tpu.memory_space<vmem_shared>>
      tpu.wait_indirect_dma semaphore(%arg28 : memref<!tpu.dma_semaphore, #tpu.memory_space<semaphore_mem>>) src(%dma_wait3A_299 : memref<1000000xf32, #tpu.memory_space<vmem_shared>>) dst(%dma_wait3A_294 : memref<128xf32, #tpu.memory_space<vmem>>)
      %dma_wait3A_300 = arith.constant 2 : i32
      %dma_wait3A_301 = arith.constant 256 : i32
      %dma_wait3A_302 = tpu.memref_slice %arg17[%dma_wait3A_301] : memref<1024xf32, #tpu.memory_space<vmem>> -> memref<128xf32, #tpu.memory_space<vmem>>
      %dma_wait3A_303 = arith.constant 0 : i32
      %dma_wait3A_304 = tpu.memref_slice %arg11[%dma_wait3A_300, %dma_wait3A_303] : memref<8x128xi32, #tpu.memory_space<vmem>> -> memref<1x128xi32, #tpu.memory_space<vmem>>
      %dma_wait3A_305 = tpu.memref_squeeze %dma_wait3A_304 : memref<1x128xi32, #tpu.memory_space<vmem>> -> memref<128xi32, #tpu.memory_space<vmem>>
      %dma_wait3A_306 = arith.constant 0 : i32
      %dma_wait3A_307 = tpu.memref_slice %arg25[%dma_wait3A_306] : memref<1000000xf32, #tpu.memory_space<vmem_shared>> -> memref<1000000xf32, #tpu.memory_space<vmem_shared>>
      tpu.wait_indirect_dma semaphore(%arg28 : memref<!tpu.dma_semaphore, #tpu.memory_space<semaphore_mem>>) src(%dma_wait3A_307 : memref<1000000xf32, #tpu.memory_space<vmem_shared>>) dst(%dma_wait3A_302 : memref<128xf32, #tpu.memory_space<vmem>>)
      %dma_wait3A_308 = arith.constant 3 : i32
      %dma_wait3A_309 = arith.constant 384 : i32
      %dma_wait3A_310 = tpu.memref_slice %arg17[%dma_wait3A_309] : memref<1024xf32, #tpu.memory_space<vmem>> -> memref<128xf32, #tpu.memory_space<vmem>>
      %dma_wait3A_311 = arith.constant 0 : i32
      %dma_wait3A_312 = tpu.memref_slice %arg11[%dma_wait3A_308, %dma_wait3A_311] : memref<8x128xi32, #tpu.memory_space<vmem>> -> memref<1x128xi32, #tpu.memory_space<vmem>>
      %dma_wait3A_313 = tpu.memref_squeeze %dma_wait3A_312 : memref<1x128xi32, #tpu.memory_space<vmem>> -> memref<128xi32, #tpu.memory_space<vmem>>
      %dma_wait3A_314 = arith.constant 0 : i32
      %dma_wait3A_315 = tpu.memref_slice %arg25[%dma_wait3A_314] : memref<1000000xf32, #tpu.memory_space<vmem_shared>> -> memref<1000000xf32, #tpu.memory_space<vmem_shared>>
      tpu.wait_indirect_dma semaphore(%arg28 : memref<!tpu.dma_semaphore, #tpu.memory_space<semaphore_mem>>) src(%dma_wait3A_315 : memref<1000000xf32, #tpu.memory_space<vmem_shared>>) dst(%dma_wait3A_310 : memref<128xf32, #tpu.memory_space<vmem>>)
      %dma_wait3A_316 = arith.constant 4 : i32
      %dma_wait3A_317 = arith.constant 512 : i32
      %dma_wait3A_318 = tpu.memref_slice %arg17[%dma_wait3A_317] : memref<1024xf32, #tpu.memory_space<vmem>> -> memref<128xf32, #tpu.memory_space<vmem>>
      %dma_wait3A_319 = arith.constant 0 : i32
      %dma_wait3A_320 = tpu.memref_slice %arg11[%dma_wait3A_316, %dma_wait3A_319] : memref<8x128xi32, #tpu.memory_space<vmem>> -> memref<1x128xi32, #tpu.memory_space<vmem>>
      %dma_wait3A_321 = tpu.memref_squeeze %dma_wait3A_320 : memref<1x128xi32, #tpu.memory_space<vmem>> -> memref<128xi32, #tpu.memory_space<vmem>>
      %dma_wait3A_322 = arith.constant 0 : i32
      %dma_wait3A_323 = tpu.memref_slice %arg25[%dma_wait3A_322] : memref<1000000xf32, #tpu.memory_space<vmem_shared>> -> memref<1000000xf32, #tpu.memory_space<vmem_shared>>
      tpu.wait_indirect_dma semaphore(%arg28 : memref<!tpu.dma_semaphore, #tpu.memory_space<semaphore_mem>>) src(%dma_wait3A_323 : memref<1000000xf32, #tpu.memory_space<vmem_shared>>) dst(%dma_wait3A_318 : memref<128xf32, #tpu.memory_space<vmem>>)
      %dma_wait3A_324 = arith.constant 5 : i32
      %dma_wait3A_325 = arith.constant 640 : i32
      %dma_wait3A_326 = tpu.memref_slice %arg17[%dma_wait3A_325] : memref<1024xf32, #tpu.memory_space<vmem>> -> memref<128xf32, #tpu.memory_space<vmem>>
      %dma_wait3A_327 = arith.constant 0 : i32
      %dma_wait3A_328 = tpu.memref_slice %arg11[%dma_wait3A_324, %dma_wait3A_327] : memref<8x128xi32, #tpu.memory_space<vmem>> -> memref<1x128xi32, #tpu.memory_space<vmem>>
      %dma_wait3A_329 = tpu.memref_squeeze %dma_wait3A_328 : memref<1x128xi32, #tpu.memory_space<vmem>> -> memref<128xi32, #tpu.memory_space<vmem>>
      %dma_wait3A_330 = arith.constant 0 : i32
      %dma_wait3A_331 = tpu.memref_slice %arg25[%dma_wait3A_330] : memref<1000000xf32, #tpu.memory_space<vmem_shared>> -> memref<1000000xf32, #tpu.memory_space<vmem_shared>>
      tpu.wait_indirect_dma semaphore(%arg28 : memref<!tpu.dma_semaphore, #tpu.memory_space<semaphore_mem>>) src(%dma_wait3A_331 : memref<1000000xf32, #tpu.memory_space<vmem_shared>>) dst(%dma_wait3A_326 : memref<128xf32, #tpu.memory_space<vmem>>)
      %dma_wait3A_332 = arith.constant 6 : i32
      %dma_wait3A_333 = arith.constant 768 : i32
      %dma_wait3A_334 = tpu.memref_slice %arg17[%dma_wait3A_333] : memref<1024xf32, #tpu.memory_space<vmem>> -> memref<128xf32, #tpu.memory_space<vmem>>
      %dma_wait3A_335 = arith.constant 0 : i32
      %dma_wait3A_336 = tpu.memref_slice %arg11[%dma_wait3A_332, %dma_wait3A_335] : memref<8x128xi32, #tpu.memory_space<vmem>> -> memref<1x128xi32, #tpu.memory_space<vmem>>
      %dma_wait3A_337 = tpu.memref_squeeze %dma_wait3A_336 : memref<1x128xi32, #tpu.memory_space<vmem>> -> memref<128xi32, #tpu.memory_space<vmem>>
      %dma_wait3A_338 = arith.constant 0 : i32
      %dma_wait3A_339 = tpu.memref_slice %arg25[%dma_wait3A_338] : memref<1000000xf32, #tpu.memory_space<vmem_shared>> -> memref<1000000xf32, #tpu.memory_space<vmem_shared>>
      tpu.wait_indirect_dma semaphore(%arg28 : memref<!tpu.dma_semaphore, #tpu.memory_space<semaphore_mem>>) src(%dma_wait3A_339 : memref<1000000xf32, #tpu.memory_space<vmem_shared>>) dst(%dma_wait3A_334 : memref<128xf32, #tpu.memory_space<vmem>>)
      %dma_wait3A_340 = arith.constant 7 : i32
      %dma_wait3A_341 = arith.constant 896 : i32
      %dma_wait3A_342 = tpu.memref_slice %arg17[%dma_wait3A_341] : memref<1024xf32, #tpu.memory_space<vmem>> -> memref<128xf32, #tpu.memory_space<vmem>>
      %dma_wait3A_343 = arith.constant 0 : i32
      %dma_wait3A_344 = tpu.memref_slice %arg11[%dma_wait3A_340, %dma_wait3A_343] : memref<8x128xi32, #tpu.memory_space<vmem>> -> memref<1x128xi32, #tpu.memory_space<vmem>>
      %dma_wait3A_345 = tpu.memref_squeeze %dma_wait3A_344 : memref<1x128xi32, #tpu.memory_space<vmem>> -> memref<128xi32, #tpu.memory_space<vmem>>
      %dma_wait3A_346 = arith.constant 0 : i32
      %dma_wait3A_347 = tpu.memref_slice %arg25[%dma_wait3A_346] : memref<1000000xf32, #tpu.memory_space<vmem_shared>> -> memref<1000000xf32, #tpu.memory_space<vmem_shared>>
      tpu.wait_indirect_dma semaphore(%arg28 : memref<!tpu.dma_semaphore, #tpu.memory_space<semaphore_mem>>) src(%dma_wait3A_347 : memref<1000000xf32, #tpu.memory_space<vmem_shared>>) dst(%dma_wait3A_342 : memref<128xf32, #tpu.memory_space<vmem>>)
      %dma_wait3A_348 = arith.constant 0 : i32
      %dma_wait3A_349 = arith.constant 0 : i32
      %dma_wait3A_350 = tpu.memref_slice %arg18[%dma_wait3A_349] : memref<1024xf32, #tpu.memory_space<vmem>> -> memref<128xf32, #tpu.memory_space<vmem>>
      %dma_wait3A_351 = arith.constant 0 : i32
      %dma_wait3A_352 = tpu.memref_slice %arg12[%dma_wait3A_348, %dma_wait3A_351] : memref<8x128xi32, #tpu.memory_space<vmem>> -> memref<1x128xi32, #tpu.memory_space<vmem>>
      %dma_wait3A_353 = tpu.memref_squeeze %dma_wait3A_352 : memref<1x128xi32, #tpu.memory_space<vmem>> -> memref<128xi32, #tpu.memory_space<vmem>>
      %dma_wait3A_354 = arith.constant 0 : i32
      %dma_wait3A_355 = tpu.memref_slice %arg25[%dma_wait3A_354] : memref<1000000xf32, #tpu.memory_space<vmem_shared>> -> memref<1000000xf32, #tpu.memory_space<vmem_shared>>
      tpu.wait_indirect_dma semaphore(%arg28 : memref<!tpu.dma_semaphore, #tpu.memory_space<semaphore_mem>>) src(%dma_wait3A_355 : memref<1000000xf32, #tpu.memory_space<vmem_shared>>) dst(%dma_wait3A_350 : memref<128xf32, #tpu.memory_space<vmem>>)
      %dma_wait3A_356 = arith.constant 1 : i32
      %dma_wait3A_357 = arith.constant 128 : i32
      %dma_wait3A_358 = tpu.memref_slice %arg18[%dma_wait3A_357] : memref<1024xf32, #tpu.memory_space<vmem>> -> memref<128xf32, #tpu.memory_space<vmem>>
      %dma_wait3A_359 = arith.constant 0 : i32
      %dma_wait3A_360 = tpu.memref_slice %arg12[%dma_wait3A_356, %dma_wait3A_359] : memref<8x128xi32, #tpu.memory_space<vmem>> -> memref<1x128xi32, #tpu.memory_space<vmem>>
      %dma_wait3A_361 = tpu.memref_squeeze %dma_wait3A_360 : memref<1x128xi32, #tpu.memory_space<vmem>> -> memref<128xi32, #tpu.memory_space<vmem>>
      %dma_wait3A_362 = arith.constant 0 : i32
      %dma_wait3A_363 = tpu.memref_slice %arg25[%dma_wait3A_362] : memref<1000000xf32, #tpu.memory_space<vmem_shared>> -> memref<1000000xf32, #tpu.memory_space<vmem_shared>>
      tpu.wait_indirect_dma semaphore(%arg28 : memref<!tpu.dma_semaphore, #tpu.memory_space<semaphore_mem>>) src(%dma_wait3A_363 : memref<1000000xf32, #tpu.memory_space<vmem_shared>>) dst(%dma_wait3A_358 : memref<128xf32, #tpu.memory_space<vmem>>)
      %dma_wait3A_364 = arith.constant 2 : i32
      %dma_wait3A_365 = arith.constant 256 : i32
      %dma_wait3A_366 = tpu.memref_slice %arg18[%dma_wait3A_365] : memref<1024xf32, #tpu.memory_space<vmem>> -> memref<128xf32, #tpu.memory_space<vmem>>
      %dma_wait3A_367 = arith.constant 0 : i32
      %dma_wait3A_368 = tpu.memref_slice %arg12[%dma_wait3A_364, %dma_wait3A_367] : memref<8x128xi32, #tpu.memory_space<vmem>> -> memref<1x128xi32, #tpu.memory_space<vmem>>
      %dma_wait3A_369 = tpu.memref_squeeze %dma_wait3A_368 : memref<1x128xi32, #tpu.memory_space<vmem>> -> memref<128xi32, #tpu.memory_space<vmem>>
      %dma_wait3A_370 = arith.constant 0 : i32
      %dma_wait3A_371 = tpu.memref_slice %arg25[%dma_wait3A_370] : memref<1000000xf32, #tpu.memory_space<vmem_shared>> -> memref<1000000xf32, #tpu.memory_space<vmem_shared>>
      tpu.wait_indirect_dma semaphore(%arg28 : memref<!tpu.dma_semaphore, #tpu.memory_space<semaphore_mem>>) src(%dma_wait3A_371 : memref<1000000xf32, #tpu.memory_space<vmem_shared>>) dst(%dma_wait3A_366 : memref<128xf32, #tpu.memory_space<vmem>>)
      %dma_wait3A_372 = arith.constant 3 : i32
      %dma_wait3A_373 = arith.constant 384 : i32
      %dma_wait3A_374 = tpu.memref_slice %arg18[%dma_wait3A_373] : memref<1024xf32, #tpu.memory_space<vmem>> -> memref<128xf32, #tpu.memory_space<vmem>>
      %dma_wait3A_375 = arith.constant 0 : i32
      %dma_wait3A_376 = tpu.memref_slice %arg12[%dma_wait3A_372, %dma_wait3A_375] : memref<8x128xi32, #tpu.memory_space<vmem>> -> memref<1x128xi32, #tpu.memory_space<vmem>>
      %dma_wait3A_377 = tpu.memref_squeeze %dma_wait3A_376 : memref<1x128xi32, #tpu.memory_space<vmem>> -> memref<128xi32, #tpu.memory_space<vmem>>
      %dma_wait3A_378 = arith.constant 0 : i32
      %dma_wait3A_379 = tpu.memref_slice %arg25[%dma_wait3A_378] : memref<1000000xf32, #tpu.memory_space<vmem_shared>> -> memref<1000000xf32, #tpu.memory_space<vmem_shared>>
      tpu.wait_indirect_dma semaphore(%arg28 : memref<!tpu.dma_semaphore, #tpu.memory_space<semaphore_mem>>) src(%dma_wait3A_379 : memref<1000000xf32, #tpu.memory_space<vmem_shared>>) dst(%dma_wait3A_374 : memref<128xf32, #tpu.memory_space<vmem>>)
      %dma_wait3A_380 = arith.constant 4 : i32
      %dma_wait3A_381 = arith.constant 512 : i32
      %dma_wait3A_382 = tpu.memref_slice %arg18[%dma_wait3A_381] : memref<1024xf32, #tpu.memory_space<vmem>> -> memref<128xf32, #tpu.memory_space<vmem>>
      %dma_wait3A_383 = arith.constant 0 : i32
      %dma_wait3A_384 = tpu.memref_slice %arg12[%dma_wait3A_380, %dma_wait3A_383] : memref<8x128xi32, #tpu.memory_space<vmem>> -> memref<1x128xi32, #tpu.memory_space<vmem>>
      %dma_wait3A_385 = tpu.memref_squeeze %dma_wait3A_384 : memref<1x128xi32, #tpu.memory_space<vmem>> -> memref<128xi32, #tpu.memory_space<vmem>>
      %dma_wait3A_386 = arith.constant 0 : i32
      %dma_wait3A_387 = tpu.memref_slice %arg25[%dma_wait3A_386] : memref<1000000xf32, #tpu.memory_space<vmem_shared>> -> memref<1000000xf32, #tpu.memory_space<vmem_shared>>
      tpu.wait_indirect_dma semaphore(%arg28 : memref<!tpu.dma_semaphore, #tpu.memory_space<semaphore_mem>>) src(%dma_wait3A_387 : memref<1000000xf32, #tpu.memory_space<vmem_shared>>) dst(%dma_wait3A_382 : memref<128xf32, #tpu.memory_space<vmem>>)
      %dma_wait3A_388 = arith.constant 5 : i32
      %dma_wait3A_389 = arith.constant 640 : i32
      %dma_wait3A_390 = tpu.memref_slice %arg18[%dma_wait3A_389] : memref<1024xf32, #tpu.memory_space<vmem>> -> memref<128xf32, #tpu.memory_space<vmem>>
      %dma_wait3A_391 = arith.constant 0 : i32
      %dma_wait3A_392 = tpu.memref_slice %arg12[%dma_wait3A_388, %dma_wait3A_391] : memref<8x128xi32, #tpu.memory_space<vmem>> -> memref<1x128xi32, #tpu.memory_space<vmem>>
      %dma_wait3A_393 = tpu.memref_squeeze %dma_wait3A_392 : memref<1x128xi32, #tpu.memory_space<vmem>> -> memref<128xi32, #tpu.memory_space<vmem>>
      %dma_wait3A_394 = arith.constant 0 : i32
      %dma_wait3A_395 = tpu.memref_slice %arg25[%dma_wait3A_394] : memref<1000000xf32, #tpu.memory_space<vmem_shared>> -> memref<1000000xf32, #tpu.memory_space<vmem_shared>>
      tpu.wait_indirect_dma semaphore(%arg28 : memref<!tpu.dma_semaphore, #tpu.memory_space<semaphore_mem>>) src(%dma_wait3A_395 : memref<1000000xf32, #tpu.memory_space<vmem_shared>>) dst(%dma_wait3A_390 : memref<128xf32, #tpu.memory_space<vmem>>)
      %dma_wait3A_396 = arith.constant 6 : i32
      %dma_wait3A_397 = arith.constant 768 : i32
      %dma_wait3A_398 = tpu.memref_slice %arg18[%dma_wait3A_397] : memref<1024xf32, #tpu.memory_space<vmem>> -> memref<128xf32, #tpu.memory_space<vmem>>
      %dma_wait3A_399 = arith.constant 0 : i32
      %dma_wait3A_400 = tpu.memref_slice %arg12[%dma_wait3A_396, %dma_wait3A_399] : memref<8x128xi32, #tpu.memory_space<vmem>> -> memref<1x128xi32, #tpu.memory_space<vmem>>
      %dma_wait3A_401 = tpu.memref_squeeze %dma_wait3A_400 : memref<1x128xi32, #tpu.memory_space<vmem>> -> memref<128xi32, #tpu.memory_space<vmem>>
      %dma_wait3A_402 = arith.constant 0 : i32
      %dma_wait3A_403 = tpu.memref_slice %arg25[%dma_wait3A_402] : memref<1000000xf32, #tpu.memory_space<vmem_shared>> -> memref<1000000xf32, #tpu.memory_space<vmem_shared>>
      tpu.wait_indirect_dma semaphore(%arg28 : memref<!tpu.dma_semaphore, #tpu.memory_space<semaphore_mem>>) src(%dma_wait3A_403 : memref<1000000xf32, #tpu.memory_space<vmem_shared>>) dst(%dma_wait3A_398 : memref<128xf32, #tpu.memory_space<vmem>>)
      %dma_wait3A_404 = arith.constant 7 : i32
      %dma_wait3A_405 = arith.constant 896 : i32
      %dma_wait3A_406 = tpu.memref_slice %arg18[%dma_wait3A_405] : memref<1024xf32, #tpu.memory_space<vmem>> -> memref<128xf32, #tpu.memory_space<vmem>>
      %dma_wait3A_407 = arith.constant 0 : i32
      %dma_wait3A_408 = tpu.memref_slice %arg12[%dma_wait3A_404, %dma_wait3A_407] : memref<8x128xi32, #tpu.memory_space<vmem>> -> memref<1x128xi32, #tpu.memory_space<vmem>>
      %dma_wait3A_409 = tpu.memref_squeeze %dma_wait3A_408 : memref<1x128xi32, #tpu.memory_space<vmem>> -> memref<128xi32, #tpu.memory_space<vmem>>
      %dma_wait3A_410 = arith.constant 0 : i32
      %dma_wait3A_411 = tpu.memref_slice %arg25[%dma_wait3A_410] : memref<1000000xf32, #tpu.memory_space<vmem_shared>> -> memref<1000000xf32, #tpu.memory_space<vmem_shared>>
      tpu.wait_indirect_dma semaphore(%arg28 : memref<!tpu.dma_semaphore, #tpu.memory_space<semaphore_mem>>) src(%dma_wait3A_411 : memref<1000000xf32, #tpu.memory_space<vmem_shared>>) dst(%dma_wait3A_406 : memref<128xf32, #tpu.memory_space<vmem>>)
      %dma_wait3A_412 = arith.constant 0 : i32
      %dma_wait3A_413 = arith.constant 0 : i32
      %dma_wait3A_414 = tpu.memref_slice %arg20[%dma_wait3A_413] : memref<1024xf32, #tpu.memory_space<vmem>> -> memref<128xf32, #tpu.memory_space<vmem>>
      %dma_wait3A_415 = arith.constant 0 : i32
      %dma_wait3A_416 = tpu.memref_slice %arg14[%dma_wait3A_412, %dma_wait3A_415] : memref<8x128xi32, #tpu.memory_space<vmem>> -> memref<1x128xi32, #tpu.memory_space<vmem>>
      %dma_wait3A_417 = tpu.memref_squeeze %dma_wait3A_416 : memref<1x128xi32, #tpu.memory_space<vmem>> -> memref<128xi32, #tpu.memory_space<vmem>>
      %dma_wait3A_418 = arith.constant 0 : i32
      %dma_wait3A_419 = tpu.memref_slice %arg25[%dma_wait3A_418] : memref<1000000xf32, #tpu.memory_space<vmem_shared>> -> memref<1000000xf32, #tpu.memory_space<vmem_shared>>
      tpu.wait_indirect_dma semaphore(%arg28 : memref<!tpu.dma_semaphore, #tpu.memory_space<semaphore_mem>>) src(%dma_wait3A_419 : memref<1000000xf32, #tpu.memory_space<vmem_shared>>) dst(%dma_wait3A_414 : memref<128xf32, #tpu.memory_space<vmem>>)
      %dma_wait3A_420 = arith.constant 1 : i32
      %dma_wait3A_421 = arith.constant 128 : i32
      %dma_wait3A_422 = tpu.memref_slice %arg20[%dma_wait3A_421] : memref<1024xf32, #tpu.memory_space<vmem>> -> memref<128xf32, #tpu.memory_space<vmem>>
      %dma_wait3A_423 = arith.constant 0 : i32
      %dma_wait3A_424 = tpu.memref_slice %arg14[%dma_wait3A_420, %dma_wait3A_423] : memref<8x128xi32, #tpu.memory_space<vmem>> -> memref<1x128xi32, #tpu.memory_space<vmem>>
      %dma_wait3A_425 = tpu.memref_squeeze %dma_wait3A_424 : memref<1x128xi32, #tpu.memory_space<vmem>> -> memref<128xi32, #tpu.memory_space<vmem>>
      %dma_wait3A_426 = arith.constant 0 : i32
      %dma_wait3A_427 = tpu.memref_slice %arg25[%dma_wait3A_426] : memref<1000000xf32, #tpu.memory_space<vmem_shared>> -> memref<1000000xf32, #tpu.memory_space<vmem_shared>>
      tpu.wait_indirect_dma semaphore(%arg28 : memref<!tpu.dma_semaphore, #tpu.memory_space<semaphore_mem>>) src(%dma_wait3A_427 : memref<1000000xf32, #tpu.memory_space<vmem_shared>>) dst(%dma_wait3A_422 : memref<128xf32, #tpu.memory_space<vmem>>)
      %dma_wait3A_428 = arith.constant 2 : i32
      %dma_wait3A_429 = arith.constant 256 : i32
      %dma_wait3A_430 = tpu.memref_slice %arg20[%dma_wait3A_429] : memref<1024xf32, #tpu.memory_space<vmem>> -> memref<128xf32, #tpu.memory_space<vmem>>
      %dma_wait3A_431 = arith.constant 0 : i32
      %dma_wait3A_432 = tpu.memref_slice %arg14[%dma_wait3A_428, %dma_wait3A_431] : memref<8x128xi32, #tpu.memory_space<vmem>> -> memref<1x128xi32, #tpu.memory_space<vmem>>
      %dma_wait3A_433 = tpu.memref_squeeze %dma_wait3A_432 : memref<1x128xi32, #tpu.memory_space<vmem>> -> memref<128xi32, #tpu.memory_space<vmem>>
      %dma_wait3A_434 = arith.constant 0 : i32
      %dma_wait3A_435 = tpu.memref_slice %arg25[%dma_wait3A_434] : memref<1000000xf32, #tpu.memory_space<vmem_shared>> -> memref<1000000xf32, #tpu.memory_space<vmem_shared>>
      tpu.wait_indirect_dma semaphore(%arg28 : memref<!tpu.dma_semaphore, #tpu.memory_space<semaphore_mem>>) src(%dma_wait3A_435 : memref<1000000xf32, #tpu.memory_space<vmem_shared>>) dst(%dma_wait3A_430 : memref<128xf32, #tpu.memory_space<vmem>>)
      %dma_wait3A_436 = arith.constant 3 : i32
      %dma_wait3A_437 = arith.constant 384 : i32
      %dma_wait3A_438 = tpu.memref_slice %arg20[%dma_wait3A_437] : memref<1024xf32, #tpu.memory_space<vmem>> -> memref<128xf32, #tpu.memory_space<vmem>>
      %dma_wait3A_439 = arith.constant 0 : i32
      %dma_wait3A_440 = tpu.memref_slice %arg14[%dma_wait3A_436, %dma_wait3A_439] : memref<8x128xi32, #tpu.memory_space<vmem>> -> memref<1x128xi32, #tpu.memory_space<vmem>>
      %dma_wait3A_441 = tpu.memref_squeeze %dma_wait3A_440 : memref<1x128xi32, #tpu.memory_space<vmem>> -> memref<128xi32, #tpu.memory_space<vmem>>
      %dma_wait3A_442 = arith.constant 0 : i32
      %dma_wait3A_443 = tpu.memref_slice %arg25[%dma_wait3A_442] : memref<1000000xf32, #tpu.memory_space<vmem_shared>> -> memref<1000000xf32, #tpu.memory_space<vmem_shared>>
      tpu.wait_indirect_dma semaphore(%arg28 : memref<!tpu.dma_semaphore, #tpu.memory_space<semaphore_mem>>) src(%dma_wait3A_443 : memref<1000000xf32, #tpu.memory_space<vmem_shared>>) dst(%dma_wait3A_438 : memref<128xf32, #tpu.memory_space<vmem>>)
      %dma_wait3A_444 = arith.constant 4 : i32
      %dma_wait3A_445 = arith.constant 512 : i32
      %dma_wait3A_446 = tpu.memref_slice %arg20[%dma_wait3A_445] : memref<1024xf32, #tpu.memory_space<vmem>> -> memref<128xf32, #tpu.memory_space<vmem>>
      %dma_wait3A_447 = arith.constant 0 : i32
      %dma_wait3A_448 = tpu.memref_slice %arg14[%dma_wait3A_444, %dma_wait3A_447] : memref<8x128xi32, #tpu.memory_space<vmem>> -> memref<1x128xi32, #tpu.memory_space<vmem>>
      %dma_wait3A_449 = tpu.memref_squeeze %dma_wait3A_448 : memref<1x128xi32, #tpu.memory_space<vmem>> -> memref<128xi32, #tpu.memory_space<vmem>>
      %dma_wait3A_450 = arith.constant 0 : i32
      %dma_wait3A_451 = tpu.memref_slice %arg25[%dma_wait3A_450] : memref<1000000xf32, #tpu.memory_space<vmem_shared>> -> memref<1000000xf32, #tpu.memory_space<vmem_shared>>
      tpu.wait_indirect_dma semaphore(%arg28 : memref<!tpu.dma_semaphore, #tpu.memory_space<semaphore_mem>>) src(%dma_wait3A_451 : memref<1000000xf32, #tpu.memory_space<vmem_shared>>) dst(%dma_wait3A_446 : memref<128xf32, #tpu.memory_space<vmem>>)
      %dma_wait3A_452 = arith.constant 5 : i32
      %dma_wait3A_453 = arith.constant 640 : i32
      %dma_wait3A_454 = tpu.memref_slice %arg20[%dma_wait3A_453] : memref<1024xf32, #tpu.memory_space<vmem>> -> memref<128xf32, #tpu.memory_space<vmem>>
      %dma_wait3A_455 = arith.constant 0 : i32
      %dma_wait3A_456 = tpu.memref_slice %arg14[%dma_wait3A_452, %dma_wait3A_455] : memref<8x128xi32, #tpu.memory_space<vmem>> -> memref<1x128xi32, #tpu.memory_space<vmem>>
      %dma_wait3A_457 = tpu.memref_squeeze %dma_wait3A_456 : memref<1x128xi32, #tpu.memory_space<vmem>> -> memref<128xi32, #tpu.memory_space<vmem>>
      %dma_wait3A_458 = arith.constant 0 : i32
      %dma_wait3A_459 = tpu.memref_slice %arg25[%dma_wait3A_458] : memref<1000000xf32, #tpu.memory_space<vmem_shared>> -> memref<1000000xf32, #tpu.memory_space<vmem_shared>>
      tpu.wait_indirect_dma semaphore(%arg28 : memref<!tpu.dma_semaphore, #tpu.memory_space<semaphore_mem>>) src(%dma_wait3A_459 : memref<1000000xf32, #tpu.memory_space<vmem_shared>>) dst(%dma_wait3A_454 : memref<128xf32, #tpu.memory_space<vmem>>)
      %dma_wait3A_460 = arith.constant 6 : i32
      %dma_wait3A_461 = arith.constant 768 : i32
      %dma_wait3A_462 = tpu.memref_slice %arg20[%dma_wait3A_461] : memref<1024xf32, #tpu.memory_space<vmem>> -> memref<128xf32, #tpu.memory_space<vmem>>
      %dma_wait3A_463 = arith.constant 0 : i32
      %dma_wait3A_464 = tpu.memref_slice %arg14[%dma_wait3A_460, %dma_wait3A_463] : memref<8x128xi32, #tpu.memory_space<vmem>> -> memref<1x128xi32, #tpu.memory_space<vmem>>
      %dma_wait3A_465 = tpu.memref_squeeze %dma_wait3A_464 : memref<1x128xi32, #tpu.memory_space<vmem>> -> memref<128xi32, #tpu.memory_space<vmem>>
      %dma_wait3A_466 = arith.constant 0 : i32
      %dma_wait3A_467 = tpu.memref_slice %arg25[%dma_wait3A_466] : memref<1000000xf32, #tpu.memory_space<vmem_shared>> -> memref<1000000xf32, #tpu.memory_space<vmem_shared>>
      tpu.wait_indirect_dma semaphore(%arg28 : memref<!tpu.dma_semaphore, #tpu.memory_space<semaphore_mem>>) src(%dma_wait3A_467 : memref<1000000xf32, #tpu.memory_space<vmem_shared>>) dst(%dma_wait3A_462 : memref<128xf32, #tpu.memory_space<vmem>>)
      %dma_wait3A_468 = arith.constant 7 : i32
      %dma_wait3A_469 = arith.constant 896 : i32
      %dma_wait3A_470 = tpu.memref_slice %arg20[%dma_wait3A_469] : memref<1024xf32, #tpu.memory_space<vmem>> -> memref<128xf32, #tpu.memory_space<vmem>>
      %dma_wait3A_471 = arith.constant 0 : i32
      %dma_wait3A_472 = tpu.memref_slice %arg14[%dma_wait3A_468, %dma_wait3A_471] : memref<8x128xi32, #tpu.memory_space<vmem>> -> memref<1x128xi32, #tpu.memory_space<vmem>>
      %dma_wait3A_473 = tpu.memref_squeeze %dma_wait3A_472 : memref<1x128xi32, #tpu.memory_space<vmem>> -> memref<128xi32, #tpu.memory_space<vmem>>
      %dma_wait3A_474 = arith.constant 0 : i32
      %dma_wait3A_475 = tpu.memref_slice %arg25[%dma_wait3A_474] : memref<1000000xf32, #tpu.memory_space<vmem_shared>> -> memref<1000000xf32, #tpu.memory_space<vmem_shared>>
      tpu.wait_indirect_dma semaphore(%arg28 : memref<!tpu.dma_semaphore, #tpu.memory_space<semaphore_mem>>) src(%dma_wait3A_475 : memref<1000000xf32, #tpu.memory_space<vmem_shared>>) dst(%dma_wait3A_470 : memref<128xf32, #tpu.memory_space<vmem>>)
      %dma_wait3A_476 = arith.constant 0 : i32
      %dma_wait3A_477 = arith.constant 0 : i32
      %dma_wait3A_478 = tpu.memref_slice %arg21[%dma_wait3A_477] : memref<1024xf32, #tpu.memory_space<vmem>> -> memref<128xf32, #tpu.memory_space<vmem>>
      %dma_wait3A_479 = arith.constant 0 : i32
      %dma_wait3A_480 = tpu.memref_slice %arg15[%dma_wait3A_476, %dma_wait3A_479] : memref<8x128xi32, #tpu.memory_space<vmem>> -> memref<1x128xi32, #tpu.memory_space<vmem>>
      %dma_wait3A_481 = tpu.memref_squeeze %dma_wait3A_480 : memref<1x128xi32, #tpu.memory_space<vmem>> -> memref<128xi32, #tpu.memory_space<vmem>>
      %dma_wait3A_482 = arith.constant 0 : i32
      %dma_wait3A_483 = tpu.memref_slice %arg25[%dma_wait3A_482] : memref<1000000xf32, #tpu.memory_space<vmem_shared>> -> memref<1000000xf32, #tpu.memory_space<vmem_shared>>
      tpu.wait_indirect_dma semaphore(%arg28 : memref<!tpu.dma_semaphore, #tpu.memory_space<semaphore_mem>>) src(%dma_wait3A_483 : memref<1000000xf32, #tpu.memory_space<vmem_shared>>) dst(%dma_wait3A_478 : memref<128xf32, #tpu.memory_space<vmem>>)
      %dma_wait3A_484 = arith.constant 1 : i32
      %dma_wait3A_485 = arith.constant 128 : i32
      %dma_wait3A_486 = tpu.memref_slice %arg21[%dma_wait3A_485] : memref<1024xf32, #tpu.memory_space<vmem>> -> memref<128xf32, #tpu.memory_space<vmem>>
      %dma_wait3A_487 = arith.constant 0 : i32
      %dma_wait3A_488 = tpu.memref_slice %arg15[%dma_wait3A_484, %dma_wait3A_487] : memref<8x128xi32, #tpu.memory_space<vmem>> -> memref<1x128xi32, #tpu.memory_space<vmem>>
      %dma_wait3A_489 = tpu.memref_squeeze %dma_wait3A_488 : memref<1x128xi32, #tpu.memory_space<vmem>> -> memref<128xi32, #tpu.memory_space<vmem>>
      %dma_wait3A_490 = arith.constant 0 : i32
      %dma_wait3A_491 = tpu.memref_slice %arg25[%dma_wait3A_490] : memref<1000000xf32, #tpu.memory_space<vmem_shared>> -> memref<1000000xf32, #tpu.memory_space<vmem_shared>>
      tpu.wait_indirect_dma semaphore(%arg28 : memref<!tpu.dma_semaphore, #tpu.memory_space<semaphore_mem>>) src(%dma_wait3A_491 : memref<1000000xf32, #tpu.memory_space<vmem_shared>>) dst(%dma_wait3A_486 : memref<128xf32, #tpu.memory_space<vmem>>)
      %dma_wait3A_492 = arith.constant 2 : i32
      %dma_wait3A_493 = arith.constant 256 : i32
      %dma_wait3A_494 = tpu.memref_slice %arg21[%dma_wait3A_493] : memref<1024xf32, #tpu.memory_space<vmem>> -> memref<128xf32, #tpu.memory_space<vmem>>
      %dma_wait3A_495 = arith.constant 0 : i32
      %dma_wait3A_496 = tpu.memref_slice %arg15[%dma_wait3A_492, %dma_wait3A_495] : memref<8x128xi32, #tpu.memory_space<vmem>> -> memref<1x128xi32, #tpu.memory_space<vmem>>
      %dma_wait3A_497 = tpu.memref_squeeze %dma_wait3A_496 : memref<1x128xi32, #tpu.memory_space<vmem>> -> memref<128xi32, #tpu.memory_space<vmem>>
      %dma_wait3A_498 = arith.constant 0 : i32
      %dma_wait3A_499 = tpu.memref_slice %arg25[%dma_wait3A_498] : memref<1000000xf32, #tpu.memory_space<vmem_shared>> -> memref<1000000xf32, #tpu.memory_space<vmem_shared>>
      tpu.wait_indirect_dma semaphore(%arg28 : memref<!tpu.dma_semaphore, #tpu.memory_space<semaphore_mem>>) src(%dma_wait3A_499 : memref<1000000xf32, #tpu.memory_space<vmem_shared>>) dst(%dma_wait3A_494 : memref<128xf32, #tpu.memory_space<vmem>>)
      %dma_wait3A_500 = arith.constant 3 : i32
      %dma_wait3A_501 = arith.constant 384 : i32
      %dma_wait3A_502 = tpu.memref_slice %arg21[%dma_wait3A_501] : memref<1024xf32, #tpu.memory_space<vmem>> -> memref<128xf32, #tpu.memory_space<vmem>>
      %dma_wait3A_503 = arith.constant 0 : i32
      %dma_wait3A_504 = tpu.memref_slice %arg15[%dma_wait3A_500, %dma_wait3A_503] : memref<8x128xi32, #tpu.memory_space<vmem>> -> memref<1x128xi32, #tpu.memory_space<vmem>>
      %dma_wait3A_505 = tpu.memref_squeeze %dma_wait3A_504 : memref<1x128xi32, #tpu.memory_space<vmem>> -> memref<128xi32, #tpu.memory_space<vmem>>
      %dma_wait3A_506 = arith.constant 0 : i32
      %dma_wait3A_507 = tpu.memref_slice %arg25[%dma_wait3A_506] : memref<1000000xf32, #tpu.memory_space<vmem_shared>> -> memref<1000000xf32, #tpu.memory_space<vmem_shared>>
      tpu.wait_indirect_dma semaphore(%arg28 : memref<!tpu.dma_semaphore, #tpu.memory_space<semaphore_mem>>) src(%dma_wait3A_507 : memref<1000000xf32, #tpu.memory_space<vmem_shared>>) dst(%dma_wait3A_502 : memref<128xf32, #tpu.memory_space<vmem>>)
      %dma_wait3A_508 = arith.constant 4 : i32
      %dma_wait3A_509 = arith.constant 512 : i32
      %dma_wait3A_510 = tpu.memref_slice %arg21[%dma_wait3A_509] : memref<1024xf32, #tpu.memory_space<vmem>> -> memref<128xf32, #tpu.memory_space<vmem>>
      %dma_wait3A_511 = arith.constant 0 : i32
      %dma_wait3A_512 = tpu.memref_slice %arg15[%dma_wait3A_508, %dma_wait3A_511] : memref<8x128xi32, #tpu.memory_space<vmem>> -> memref<1x128xi32, #tpu.memory_space<vmem>>
      %dma_wait3A_513 = tpu.memref_squeeze %dma_wait3A_512 : memref<1x128xi32, #tpu.memory_space<vmem>> -> memref<128xi32, #tpu.memory_space<vmem>>
      %dma_wait3A_514 = arith.constant 0 : i32
      %dma_wait3A_515 = tpu.memref_slice %arg25[%dma_wait3A_514] : memref<1000000xf32, #tpu.memory_space<vmem_shared>> -> memref<1000000xf32, #tpu.memory_space<vmem_shared>>
      tpu.wait_indirect_dma semaphore(%arg28 : memref<!tpu.dma_semaphore, #tpu.memory_space<semaphore_mem>>) src(%dma_wait3A_515 : memref<1000000xf32, #tpu.memory_space<vmem_shared>>) dst(%dma_wait3A_510 : memref<128xf32, #tpu.memory_space<vmem>>)
      %dma_wait3A_516 = arith.constant 5 : i32
      %dma_wait3A_517 = arith.constant 640 : i32
      %dma_wait3A_518 = tpu.memref_slice %arg21[%dma_wait3A_517] : memref<1024xf32, #tpu.memory_space<vmem>> -> memref<128xf32, #tpu.memory_space<vmem>>
      %dma_wait3A_519 = arith.constant 0 : i32
      %dma_wait3A_520 = tpu.memref_slice %arg15[%dma_wait3A_516, %dma_wait3A_519] : memref<8x128xi32, #tpu.memory_space<vmem>> -> memref<1x128xi32, #tpu.memory_space<vmem>>
      %dma_wait3A_521 = tpu.memref_squeeze %dma_wait3A_520 : memref<1x128xi32, #tpu.memory_space<vmem>> -> memref<128xi32, #tpu.memory_space<vmem>>
      %dma_wait3A_522 = arith.constant 0 : i32
      %dma_wait3A_523 = tpu.memref_slice %arg25[%dma_wait3A_522] : memref<1000000xf32, #tpu.memory_space<vmem_shared>> -> memref<1000000xf32, #tpu.memory_space<vmem_shared>>
      tpu.wait_indirect_dma semaphore(%arg28 : memref<!tpu.dma_semaphore, #tpu.memory_space<semaphore_mem>>) src(%dma_wait3A_523 : memref<1000000xf32, #tpu.memory_space<vmem_shared>>) dst(%dma_wait3A_518 : memref<128xf32, #tpu.memory_space<vmem>>)
      %dma_wait3A_524 = arith.constant 6 : i32
      %dma_wait3A_525 = arith.constant 768 : i32
      %dma_wait3A_526 = tpu.memref_slice %arg21[%dma_wait3A_525] : memref<1024xf32, #tpu.memory_space<vmem>> -> memref<128xf32, #tpu.memory_space<vmem>>
      %dma_wait3A_527 = arith.constant 0 : i32
      %dma_wait3A_528 = tpu.memref_slice %arg15[%dma_wait3A_524, %dma_wait3A_527] : memref<8x128xi32, #tpu.memory_space<vmem>> -> memref<1x128xi32, #tpu.memory_space<vmem>>
      %dma_wait3A_529 = tpu.memref_squeeze %dma_wait3A_528 : memref<1x128xi32, #tpu.memory_space<vmem>> -> memref<128xi32, #tpu.memory_space<vmem>>
      %dma_wait3A_530 = arith.constant 0 : i32
      %dma_wait3A_531 = tpu.memref_slice %arg25[%dma_wait3A_530] : memref<1000000xf32, #tpu.memory_space<vmem_shared>> -> memref<1000000xf32, #tpu.memory_space<vmem_shared>>
      tpu.wait_indirect_dma semaphore(%arg28 : memref<!tpu.dma_semaphore, #tpu.memory_space<semaphore_mem>>) src(%dma_wait3A_531 : memref<1000000xf32, #tpu.memory_space<vmem_shared>>) dst(%dma_wait3A_526 : memref<128xf32, #tpu.memory_space<vmem>>)
      %dma_wait3A_532 = arith.constant 7 : i32
      %dma_wait3A_533 = arith.constant 896 : i32
      %dma_wait3A_534 = tpu.memref_slice %arg21[%dma_wait3A_533] : memref<1024xf32, #tpu.memory_space<vmem>> -> memref<128xf32, #tpu.memory_space<vmem>>
      %dma_wait3A_535 = arith.constant 0 : i32
      %dma_wait3A_536 = tpu.memref_slice %arg15[%dma_wait3A_532, %dma_wait3A_535] : memref<8x128xi32, #tpu.memory_space<vmem>> -> memref<1x128xi32, #tpu.memory_space<vmem>>
      %dma_wait3A_537 = tpu.memref_squeeze %dma_wait3A_536 : memref<1x128xi32, #tpu.memory_space<vmem>> -> memref<128xi32, #tpu.memory_space<vmem>>
      %dma_wait3A_538 = arith.constant 0 : i32
      %dma_wait3A_539 = tpu.memref_slice %arg25[%dma_wait3A_538] : memref<1000000xf32, #tpu.memory_space<vmem_shared>> -> memref<1000000xf32, #tpu.memory_space<vmem_shared>>
      tpu.wait_indirect_dma semaphore(%arg28 : memref<!tpu.dma_semaphore, #tpu.memory_space<semaphore_mem>>) src(%dma_wait3A_539 : memref<1000000xf32, #tpu.memory_space<vmem_shared>>) dst(%dma_wait3A_534 : memref<128xf32, #tpu.memory_space<vmem>>)
      %barrier3A_540 = arith.constant 0 : index
      tpu.barrier barrier_id(%barrier3A_540)
      %eq3A_541 = arith.constant 1 : i32
      %eq3A_542 = arith.cmpi eq, %arg1, %eq3A_541 : i32
      %convert_element_type3A_543 = arith.extui %eq3A_542 : i1 to i32
      %cond3A_544 = arith.constant 0 : i32
      %cond3A_545 = arith.cmpi ne, %convert_element_type3A_543, %cond3A_544 : i32
      scf.if %cond3A_545 {
        %dma_start3A_823 = arith.constant 0 : i32
        %dma_start3A_824 = tpu.memref_slice %arg3[%add3A_26, %dma_start3A_823] : memref<64x1000000xf32, #tpu.memory_space<hbm>> -> memref<1x1000000xf32, #tpu.memory_space<hbm>>
        %dma_start3A_825 = tpu.memref_squeeze %dma_start3A_824 : memref<1x1000000xf32, #tpu.memory_space<hbm>> -> memref<1000000xf32, #tpu.memory_space<hbm>>
        tpu.enqueue_dma source(%dma_start3A_825 : memref<1000000xf32, #tpu.memory_space<hbm>>) target(%arg25 : memref<1000000xf32, #tpu.memory_space<vmem_shared>>) target_semaphore(%arg27 : memref<!tpu.dma_semaphore, #tpu.memory_space<semaphore_mem>>)
        %dma_wait3A_826 = arith.constant 0 : i32
        %dma_wait3A_827 = tpu.memref_slice %arg3[%add3A_26, %dma_wait3A_826] : memref<64x1000000xf32, #tpu.memory_space<hbm>> -> memref<1x1000000xf32, #tpu.memory_space<hbm>>
        %dma_wait3A_828 = tpu.memref_squeeze %dma_wait3A_827 : memref<1x1000000xf32, #tpu.memory_space<hbm>> -> memref<1000000xf32, #tpu.memory_space<hbm>>
        tpu.wait_dma2 semaphore(%arg27 : memref<!tpu.dma_semaphore, #tpu.memory_space<semaphore_mem>>) src(%dma_wait3A_828 : memref<1000000xf32, #tpu.memory_space<hbm>>) dst(%arg25 : memref<1000000xf32, #tpu.memory_space<vmem_shared>>)
      } else {
      }
      %barrier3A_546 = arith.constant 0 : index
      tpu.barrier barrier_id(%barrier3A_546)
      %dma_start3A_547 = arith.constant 0 : i32
      %dma_start3A_548 = arith.constant 0 : i32
      %dma_start3A_549 = tpu.memref_slice %arg19[%dma_start3A_548] : memref<1024xf32, #tpu.memory_space<vmem>> -> memref<128xf32, #tpu.memory_space<vmem>>
      %dma_start3A_550 = arith.constant 0 : i32
      %dma_start3A_551 = tpu.memref_slice %arg13[%dma_start3A_547, %dma_start3A_550] : memref<8x128xi32, #tpu.memory_space<vmem>> -> memref<1x128xi32, #tpu.memory_space<vmem>>
      %dma_start3A_552 = tpu.memref_squeeze %dma_start3A_551 : memref<1x128xi32, #tpu.memory_space<vmem>> -> memref<128xi32, #tpu.memory_space<vmem>>
      %dma_start3A_553 = arith.constant 0 : i32
      %dma_start3A_554 = tpu.memref_slice %arg25[%dma_start3A_553] : memref<1000000xf32, #tpu.memory_space<vmem_shared>> -> memref<1000000xf32, #tpu.memory_space<vmem_shared>>
      tpu.enqueue_indirect_dma source(%dma_start3A_554 : memref<1000000xf32, #tpu.memory_space<vmem_shared>>) target(%dma_start3A_549 : memref<128xf32, #tpu.memory_space<vmem>>) offsets(%dma_start3A_552 : memref<128xi32, #tpu.memory_space<vmem>>) semaphore(%arg28 : memref<!tpu.dma_semaphore, #tpu.memory_space<semaphore_mem>>)
      %dma_start3A_555 = arith.constant 1 : i32
      %dma_start3A_556 = arith.constant 128 : i32
      %dma_start3A_557 = tpu.memref_slice %arg19[%dma_start3A_556] : memref<1024xf32, #tpu.memory_space<vmem>> -> memref<128xf32, #tpu.memory_space<vmem>>
      %dma_start3A_558 = arith.constant 0 : i32
      %dma_start3A_559 = tpu.memref_slice %arg13[%dma_start3A_555, %dma_start3A_558] : memref<8x128xi32, #tpu.memory_space<vmem>> -> memref<1x128xi32, #tpu.memory_space<vmem>>
      %dma_start3A_560 = tpu.memref_squeeze %dma_start3A_559 : memref<1x128xi32, #tpu.memory_space<vmem>> -> memref<128xi32, #tpu.memory_space<vmem>>
      %dma_start3A_561 = arith.constant 0 : i32
      %dma_start3A_562 = tpu.memref_slice %arg25[%dma_start3A_561] : memref<1000000xf32, #tpu.memory_space<vmem_shared>> -> memref<1000000xf32, #tpu.memory_space<vmem_shared>>
      tpu.enqueue_indirect_dma source(%dma_start3A_562 : memref<1000000xf32, #tpu.memory_space<vmem_shared>>) target(%dma_start3A_557 : memref<128xf32, #tpu.memory_space<vmem>>) offsets(%dma_start3A_560 : memref<128xi32, #tpu.memory_space<vmem>>) semaphore(%arg28 : memref<!tpu.dma_semaphore, #tpu.memory_space<semaphore_mem>>)
      %dma_start3A_563 = arith.constant 2 : i32
      %dma_start3A_564 = arith.constant 256 : i32
      %dma_start3A_565 = tpu.memref_slice %arg19[%dma_start3A_564] : memref<1024xf32, #tpu.memory_space<vmem>> -> memref<128xf32, #tpu.memory_space<vmem>>
      %dma_start3A_566 = arith.constant 0 : i32
      %dma_start3A_567 = tpu.memref_slice %arg13[%dma_start3A_563, %dma_start3A_566] : memref<8x128xi32, #tpu.memory_space<vmem>> -> memref<1x128xi32, #tpu.memory_space<vmem>>
      %dma_start3A_568 = tpu.memref_squeeze %dma_start3A_567 : memref<1x128xi32, #tpu.memory_space<vmem>> -> memref<128xi32, #tpu.memory_space<vmem>>
      %dma_start3A_569 = arith.constant 0 : i32
      %dma_start3A_570 = tpu.memref_slice %arg25[%dma_start3A_569] : memref<1000000xf32, #tpu.memory_space<vmem_shared>> -> memref<1000000xf32, #tpu.memory_space<vmem_shared>>
      tpu.enqueue_indirect_dma source(%dma_start3A_570 : memref<1000000xf32, #tpu.memory_space<vmem_shared>>) target(%dma_start3A_565 : memref<128xf32, #tpu.memory_space<vmem>>) offsets(%dma_start3A_568 : memref<128xi32, #tpu.memory_space<vmem>>) semaphore(%arg28 : memref<!tpu.dma_semaphore, #tpu.memory_space<semaphore_mem>>)
      %dma_start3A_571 = arith.constant 3 : i32
      %dma_start3A_572 = arith.constant 384 : i32
      %dma_start3A_573 = tpu.memref_slice %arg19[%dma_start3A_572] : memref<1024xf32, #tpu.memory_space<vmem>> -> memref<128xf32, #tpu.memory_space<vmem>>
      %dma_start3A_574 = arith.constant 0 : i32
      %dma_start3A_575 = tpu.memref_slice %arg13[%dma_start3A_571, %dma_start3A_574] : memref<8x128xi32, #tpu.memory_space<vmem>> -> memref<1x128xi32, #tpu.memory_space<vmem>>
      %dma_start3A_576 = tpu.memref_squeeze %dma_start3A_575 : memref<1x128xi32, #tpu.memory_space<vmem>> -> memref<128xi32, #tpu.memory_space<vmem>>
      %dma_start3A_577 = arith.constant 0 : i32
      %dma_start3A_578 = tpu.memref_slice %arg25[%dma_start3A_577] : memref<1000000xf32, #tpu.memory_space<vmem_shared>> -> memref<1000000xf32, #tpu.memory_space<vmem_shared>>
      tpu.enqueue_indirect_dma source(%dma_start3A_578 : memref<1000000xf32, #tpu.memory_space<vmem_shared>>) target(%dma_start3A_573 : memref<128xf32, #tpu.memory_space<vmem>>) offsets(%dma_start3A_576 : memref<128xi32, #tpu.memory_space<vmem>>) semaphore(%arg28 : memref<!tpu.dma_semaphore, #tpu.memory_space<semaphore_mem>>)
      %dma_start3A_579 = arith.constant 4 : i32
      %dma_start3A_580 = arith.constant 512 : i32
      %dma_start3A_581 = tpu.memref_slice %arg19[%dma_start3A_580] : memref<1024xf32, #tpu.memory_space<vmem>> -> memref<128xf32, #tpu.memory_space<vmem>>
      %dma_start3A_582 = arith.constant 0 : i32
      %dma_start3A_583 = tpu.memref_slice %arg13[%dma_start3A_579, %dma_start3A_582] : memref<8x128xi32, #tpu.memory_space<vmem>> -> memref<1x128xi32, #tpu.memory_space<vmem>>
      %dma_start3A_584 = tpu.memref_squeeze %dma_start3A_583 : memref<1x128xi32, #tpu.memory_space<vmem>> -> memref<128xi32, #tpu.memory_space<vmem>>
      %dma_start3A_585 = arith.constant 0 : i32
      %dma_start3A_586 = tpu.memref_slice %arg25[%dma_start3A_585] : memref<1000000xf32, #tpu.memory_space<vmem_shared>> -> memref<1000000xf32, #tpu.memory_space<vmem_shared>>
      tpu.enqueue_indirect_dma source(%dma_start3A_586 : memref<1000000xf32, #tpu.memory_space<vmem_shared>>) target(%dma_start3A_581 : memref<128xf32, #tpu.memory_space<vmem>>) offsets(%dma_start3A_584 : memref<128xi32, #tpu.memory_space<vmem>>) semaphore(%arg28 : memref<!tpu.dma_semaphore, #tpu.memory_space<semaphore_mem>>)
      %dma_start3A_587 = arith.constant 5 : i32
      %dma_start3A_588 = arith.constant 640 : i32
      %dma_start3A_589 = tpu.memref_slice %arg19[%dma_start3A_588] : memref<1024xf32, #tpu.memory_space<vmem>> -> memref<128xf32, #tpu.memory_space<vmem>>
      %dma_start3A_590 = arith.constant 0 : i32
      %dma_start3A_591 = tpu.memref_slice %arg13[%dma_start3A_587, %dma_start3A_590] : memref<8x128xi32, #tpu.memory_space<vmem>> -> memref<1x128xi32, #tpu.memory_space<vmem>>
      %dma_start3A_592 = tpu.memref_squeeze %dma_start3A_591 : memref<1x128xi32, #tpu.memory_space<vmem>> -> memref<128xi32, #tpu.memory_space<vmem>>
      %dma_start3A_593 = arith.constant 0 : i32
      %dma_start3A_594 = tpu.memref_slice %arg25[%dma_start3A_593] : memref<1000000xf32, #tpu.memory_space<vmem_shared>> -> memref<1000000xf32, #tpu.memory_space<vmem_shared>>
      tpu.enqueue_indirect_dma source(%dma_start3A_594 : memref<1000000xf32, #tpu.memory_space<vmem_shared>>) target(%dma_start3A_589 : memref<128xf32, #tpu.memory_space<vmem>>) offsets(%dma_start3A_592 : memref<128xi32, #tpu.memory_space<vmem>>) semaphore(%arg28 : memref<!tpu.dma_semaphore, #tpu.memory_space<semaphore_mem>>)
      %dma_start3A_595 = arith.constant 6 : i32
      %dma_start3A_596 = arith.constant 768 : i32
      %dma_start3A_597 = tpu.memref_slice %arg19[%dma_start3A_596] : memref<1024xf32, #tpu.memory_space<vmem>> -> memref<128xf32, #tpu.memory_space<vmem>>
      %dma_start3A_598 = arith.constant 0 : i32
      %dma_start3A_599 = tpu.memref_slice %arg13[%dma_start3A_595, %dma_start3A_598] : memref<8x128xi32, #tpu.memory_space<vmem>> -> memref<1x128xi32, #tpu.memory_space<vmem>>
      %dma_start3A_600 = tpu.memref_squeeze %dma_start3A_599 : memref<1x128xi32, #tpu.memory_space<vmem>> -> memref<128xi32, #tpu.memory_space<vmem>>
      %dma_start3A_601 = arith.constant 0 : i32
      %dma_start3A_602 = tpu.memref_slice %arg25[%dma_start3A_601] : memref<1000000xf32, #tpu.memory_space<vmem_shared>> -> memref<1000000xf32, #tpu.memory_space<vmem_shared>>
      tpu.enqueue_indirect_dma source(%dma_start3A_602 : memref<1000000xf32, #tpu.memory_space<vmem_shared>>) target(%dma_start3A_597 : memref<128xf32, #tpu.memory_space<vmem>>) offsets(%dma_start3A_600 : memref<128xi32, #tpu.memory_space<vmem>>) semaphore(%arg28 : memref<!tpu.dma_semaphore, #tpu.memory_space<semaphore_mem>>)
      %dma_start3A_603 = arith.constant 7 : i32
      %dma_start3A_604 = arith.constant 896 : i32
      %dma_start3A_605 = tpu.memref_slice %arg19[%dma_start3A_604] : memref<1024xf32, #tpu.memory_space<vmem>> -> memref<128xf32, #tpu.memory_space<vmem>>
      %dma_start3A_606 = arith.constant 0 : i32
      %dma_start3A_607 = tpu.memref_slice %arg13[%dma_start3A_603, %dma_start3A_606] : memref<8x128xi32, #tpu.memory_space<vmem>> -> memref<1x128xi32, #tpu.memory_space<vmem>>
      %dma_start3A_608 = tpu.memref_squeeze %dma_start3A_607 : memref<1x128xi32, #tpu.memory_space<vmem>> -> memref<128xi32, #tpu.memory_space<vmem>>
      %dma_start3A_609 = arith.constant 0 : i32
      %dma_start3A_610 = tpu.memref_slice %arg25[%dma_start3A_609] : memref<1000000xf32, #tpu.memory_space<vmem_shared>> -> memref<1000000xf32, #tpu.memory_space<vmem_shared>>
      tpu.enqueue_indirect_dma source(%dma_start3A_610 : memref<1000000xf32, #tpu.memory_space<vmem_shared>>) target(%dma_start3A_605 : memref<128xf32, #tpu.memory_space<vmem>>) offsets(%dma_start3A_608 : memref<128xi32, #tpu.memory_space<vmem>>) semaphore(%arg28 : memref<!tpu.dma_semaphore, #tpu.memory_space<semaphore_mem>>)
      %dma_start3A_611 = arith.constant 0 : i32
      %dma_start3A_612 = arith.constant 0 : i32
      %dma_start3A_613 = tpu.memref_slice %arg22[%dma_start3A_612] : memref<1024xf32, #tpu.memory_space<vmem>> -> memref<128xf32, #tpu.memory_space<vmem>>
      %dma_start3A_614 = arith.constant 0 : i32
      %dma_start3A_615 = tpu.memref_slice %arg16[%dma_start3A_611, %dma_start3A_614] : memref<8x128xi32, #tpu.memory_space<vmem>> -> memref<1x128xi32, #tpu.memory_space<vmem>>
      %dma_start3A_616 = tpu.memref_squeeze %dma_start3A_615 : memref<1x128xi32, #tpu.memory_space<vmem>> -> memref<128xi32, #tpu.memory_space<vmem>>
      %dma_start3A_617 = arith.constant 0 : i32
      %dma_start3A_618 = tpu.memref_slice %arg25[%dma_start3A_617] : memref<1000000xf32, #tpu.memory_space<vmem_shared>> -> memref<1000000xf32, #tpu.memory_space<vmem_shared>>
      tpu.enqueue_indirect_dma source(%dma_start3A_618 : memref<1000000xf32, #tpu.memory_space<vmem_shared>>) target(%dma_start3A_613 : memref<128xf32, #tpu.memory_space<vmem>>) offsets(%dma_start3A_616 : memref<128xi32, #tpu.memory_space<vmem>>) semaphore(%arg28 : memref<!tpu.dma_semaphore, #tpu.memory_space<semaphore_mem>>)
      %dma_start3A_619 = arith.constant 1 : i32
      %dma_start3A_620 = arith.constant 128 : i32
      %dma_start3A_621 = tpu.memref_slice %arg22[%dma_start3A_620] : memref<1024xf32, #tpu.memory_space<vmem>> -> memref<128xf32, #tpu.memory_space<vmem>>
      %dma_start3A_622 = arith.constant 0 : i32
      %dma_start3A_623 = tpu.memref_slice %arg16[%dma_start3A_619, %dma_start3A_622] : memref<8x128xi32, #tpu.memory_space<vmem>> -> memref<1x128xi32, #tpu.memory_space<vmem>>
      %dma_start3A_624 = tpu.memref_squeeze %dma_start3A_623 : memref<1x128xi32, #tpu.memory_space<vmem>> -> memref<128xi32, #tpu.memory_space<vmem>>
      %dma_start3A_625 = arith.constant 0 : i32
      %dma_start3A_626 = tpu.memref_slice %arg25[%dma_start3A_625] : memref<1000000xf32, #tpu.memory_space<vmem_shared>> -> memref<1000000xf32, #tpu.memory_space<vmem_shared>>
      tpu.enqueue_indirect_dma source(%dma_start3A_626 : memref<1000000xf32, #tpu.memory_space<vmem_shared>>) target(%dma_start3A_621 : memref<128xf32, #tpu.memory_space<vmem>>) offsets(%dma_start3A_624 : memref<128xi32, #tpu.memory_space<vmem>>) semaphore(%arg28 : memref<!tpu.dma_semaphore, #tpu.memory_space<semaphore_mem>>)
      %dma_start3A_627 = arith.constant 2 : i32
      %dma_start3A_628 = arith.constant 256 : i32
      %dma_start3A_629 = tpu.memref_slice %arg22[%dma_start3A_628] : memref<1024xf32, #tpu.memory_space<vmem>> -> memref<128xf32, #tpu.memory_space<vmem>>
      %dma_start3A_630 = arith.constant 0 : i32
      %dma_start3A_631 = tpu.memref_slice %arg16[%dma_start3A_627, %dma_start3A_630] : memref<8x128xi32, #tpu.memory_space<vmem>> -> memref<1x128xi32, #tpu.memory_space<vmem>>
      %dma_start3A_632 = tpu.memref_squeeze %dma_start3A_631 : memref<1x128xi32, #tpu.memory_space<vmem>> -> memref<128xi32, #tpu.memory_space<vmem>>
      %dma_start3A_633 = arith.constant 0 : i32
      %dma_start3A_634 = tpu.memref_slice %arg25[%dma_start3A_633] : memref<1000000xf32, #tpu.memory_space<vmem_shared>> -> memref<1000000xf32, #tpu.memory_space<vmem_shared>>
      tpu.enqueue_indirect_dma source(%dma_start3A_634 : memref<1000000xf32, #tpu.memory_space<vmem_shared>>) target(%dma_start3A_629 : memref<128xf32, #tpu.memory_space<vmem>>) offsets(%dma_start3A_632 : memref<128xi32, #tpu.memory_space<vmem>>) semaphore(%arg28 : memref<!tpu.dma_semaphore, #tpu.memory_space<semaphore_mem>>)
      %dma_start3A_635 = arith.constant 3 : i32
      %dma_start3A_636 = arith.constant 384 : i32
      %dma_start3A_637 = tpu.memref_slice %arg22[%dma_start3A_636] : memref<1024xf32, #tpu.memory_space<vmem>> -> memref<128xf32, #tpu.memory_space<vmem>>
      %dma_start3A_638 = arith.constant 0 : i32
      %dma_start3A_639 = tpu.memref_slice %arg16[%dma_start3A_635, %dma_start3A_638] : memref<8x128xi32, #tpu.memory_space<vmem>> -> memref<1x128xi32, #tpu.memory_space<vmem>>
      %dma_start3A_640 = tpu.memref_squeeze %dma_start3A_639 : memref<1x128xi32, #tpu.memory_space<vmem>> -> memref<128xi32, #tpu.memory_space<vmem>>
      %dma_start3A_641 = arith.constant 0 : i32
      %dma_start3A_642 = tpu.memref_slice %arg25[%dma_start3A_641] : memref<1000000xf32, #tpu.memory_space<vmem_shared>> -> memref<1000000xf32, #tpu.memory_space<vmem_shared>>
      tpu.enqueue_indirect_dma source(%dma_start3A_642 : memref<1000000xf32, #tpu.memory_space<vmem_shared>>) target(%dma_start3A_637 : memref<128xf32, #tpu.memory_space<vmem>>) offsets(%dma_start3A_640 : memref<128xi32, #tpu.memory_space<vmem>>) semaphore(%arg28 : memref<!tpu.dma_semaphore, #tpu.memory_space<semaphore_mem>>)
      %dma_start3A_643 = arith.constant 4 : i32
      %dma_start3A_644 = arith.constant 512 : i32
      %dma_start3A_645 = tpu.memref_slice %arg22[%dma_start3A_644] : memref<1024xf32, #tpu.memory_space<vmem>> -> memref<128xf32, #tpu.memory_space<vmem>>
      %dma_start3A_646 = arith.constant 0 : i32
      %dma_start3A_647 = tpu.memref_slice %arg16[%dma_start3A_643, %dma_start3A_646] : memref<8x128xi32, #tpu.memory_space<vmem>> -> memref<1x128xi32, #tpu.memory_space<vmem>>
      %dma_start3A_648 = tpu.memref_squeeze %dma_start3A_647 : memref<1x128xi32, #tpu.memory_space<vmem>> -> memref<128xi32, #tpu.memory_space<vmem>>
      %dma_start3A_649 = arith.constant 0 : i32
      %dma_start3A_650 = tpu.memref_slice %arg25[%dma_start3A_649] : memref<1000000xf32, #tpu.memory_space<vmem_shared>> -> memref<1000000xf32, #tpu.memory_space<vmem_shared>>
      tpu.enqueue_indirect_dma source(%dma_start3A_650 : memref<1000000xf32, #tpu.memory_space<vmem_shared>>) target(%dma_start3A_645 : memref<128xf32, #tpu.memory_space<vmem>>) offsets(%dma_start3A_648 : memref<128xi32, #tpu.memory_space<vmem>>) semaphore(%arg28 : memref<!tpu.dma_semaphore, #tpu.memory_space<semaphore_mem>>)
      %dma_start3A_651 = arith.constant 5 : i32
      %dma_start3A_652 = arith.constant 640 : i32
      %dma_start3A_653 = tpu.memref_slice %arg22[%dma_start3A_652] : memref<1024xf32, #tpu.memory_space<vmem>> -> memref<128xf32, #tpu.memory_space<vmem>>
      %dma_start3A_654 = arith.constant 0 : i32
      %dma_start3A_655 = tpu.memref_slice %arg16[%dma_start3A_651, %dma_start3A_654] : memref<8x128xi32, #tpu.memory_space<vmem>> -> memref<1x128xi32, #tpu.memory_space<vmem>>
      %dma_start3A_656 = tpu.memref_squeeze %dma_start3A_655 : memref<1x128xi32, #tpu.memory_space<vmem>> -> memref<128xi32, #tpu.memory_space<vmem>>
      %dma_start3A_657 = arith.constant 0 : i32
      %dma_start3A_658 = tpu.memref_slice %arg25[%dma_start3A_657] : memref<1000000xf32, #tpu.memory_space<vmem_shared>> -> memref<1000000xf32, #tpu.memory_space<vmem_shared>>
      tpu.enqueue_indirect_dma source(%dma_start3A_658 : memref<1000000xf32, #tpu.memory_space<vmem_shared>>) target(%dma_start3A_653 : memref<128xf32, #tpu.memory_space<vmem>>) offsets(%dma_start3A_656 : memref<128xi32, #tpu.memory_space<vmem>>) semaphore(%arg28 : memref<!tpu.dma_semaphore, #tpu.memory_space<semaphore_mem>>)
      %dma_start3A_659 = arith.constant 6 : i32
      %dma_start3A_660 = arith.constant 768 : i32
      %dma_start3A_661 = tpu.memref_slice %arg22[%dma_start3A_660] : memref<1024xf32, #tpu.memory_space<vmem>> -> memref<128xf32, #tpu.memory_space<vmem>>
      %dma_start3A_662 = arith.constant 0 : i32
      %dma_start3A_663 = tpu.memref_slice %arg16[%dma_start3A_659, %dma_start3A_662] : memref<8x128xi32, #tpu.memory_space<vmem>> -> memref<1x128xi32, #tpu.memory_space<vmem>>
      %dma_start3A_664 = tpu.memref_squeeze %dma_start3A_663 : memref<1x128xi32, #tpu.memory_space<vmem>> -> memref<128xi32, #tpu.memory_space<vmem>>
      %dma_start3A_665 = arith.constant 0 : i32
      %dma_start3A_666 = tpu.memref_slice %arg25[%dma_start3A_665] : memref<1000000xf32, #tpu.memory_space<vmem_shared>> -> memref<1000000xf32, #tpu.memory_space<vmem_shared>>
      tpu.enqueue_indirect_dma source(%dma_start3A_666 : memref<1000000xf32, #tpu.memory_space<vmem_shared>>) target(%dma_start3A_661 : memref<128xf32, #tpu.memory_space<vmem>>) offsets(%dma_start3A_664 : memref<128xi32, #tpu.memory_space<vmem>>) semaphore(%arg28 : memref<!tpu.dma_semaphore, #tpu.memory_space<semaphore_mem>>)
      %dma_start3A_667 = arith.constant 7 : i32
      %dma_start3A_668 = arith.constant 896 : i32
      %dma_start3A_669 = tpu.memref_slice %arg22[%dma_start3A_668] : memref<1024xf32, #tpu.memory_space<vmem>> -> memref<128xf32, #tpu.memory_space<vmem>>
      %dma_start3A_670 = arith.constant 0 : i32
      %dma_start3A_671 = tpu.memref_slice %arg16[%dma_start3A_667, %dma_start3A_670] : memref<8x128xi32, #tpu.memory_space<vmem>> -> memref<1x128xi32, #tpu.memory_space<vmem>>
      %dma_start3A_672 = tpu.memref_squeeze %dma_start3A_671 : memref<1x128xi32, #tpu.memory_space<vmem>> -> memref<128xi32, #tpu.memory_space<vmem>>
      %dma_start3A_673 = arith.constant 0 : i32
      %dma_start3A_674 = tpu.memref_slice %arg25[%dma_start3A_673] : memref<1000000xf32, #tpu.memory_space<vmem_shared>> -> memref<1000000xf32, #tpu.memory_space<vmem_shared>>
      tpu.enqueue_indirect_dma source(%dma_start3A_674 : memref<1000000xf32, #tpu.memory_space<vmem_shared>>) target(%dma_start3A_669 : memref<128xf32, #tpu.memory_space<vmem>>) offsets(%dma_start3A_672 : memref<128xi32, #tpu.memory_space<vmem>>) semaphore(%arg28 : memref<!tpu.dma_semaphore, #tpu.memory_space<semaphore_mem>>)
      %dma_wait3A_675 = arith.constant 0 : i32
      %dma_wait3A_676 = arith.constant 0 : i32
      %dma_wait3A_677 = tpu.memref_slice %arg19[%dma_wait3A_676] : memref<1024xf32, #tpu.memory_space<vmem>> -> memref<128xf32, #tpu.memory_space<vmem>>
      %dma_wait3A_678 = arith.constant 0 : i32
      %dma_wait3A_679 = tpu.memref_slice %arg13[%dma_wait3A_675, %dma_wait3A_678] : memref<8x128xi32, #tpu.memory_space<vmem>> -> memref<1x128xi32, #tpu.memory_space<vmem>>
      %dma_wait3A_680 = tpu.memref_squeeze %dma_wait3A_679 : memref<1x128xi32, #tpu.memory_space<vmem>> -> memref<128xi32, #tpu.memory_space<vmem>>
      %dma_wait3A_681 = arith.constant 0 : i32
      %dma_wait3A_682 = tpu.memref_slice %arg25[%dma_wait3A_681] : memref<1000000xf32, #tpu.memory_space<vmem_shared>> -> memref<1000000xf32, #tpu.memory_space<vmem_shared>>
      tpu.wait_indirect_dma semaphore(%arg28 : memref<!tpu.dma_semaphore, #tpu.memory_space<semaphore_mem>>) src(%dma_wait3A_682 : memref<1000000xf32, #tpu.memory_space<vmem_shared>>) dst(%dma_wait3A_677 : memref<128xf32, #tpu.memory_space<vmem>>)
      %dma_wait3A_683 = arith.constant 1 : i32
      %dma_wait3A_684 = arith.constant 128 : i32
      %dma_wait3A_685 = tpu.memref_slice %arg19[%dma_wait3A_684] : memref<1024xf32, #tpu.memory_space<vmem>> -> memref<128xf32, #tpu.memory_space<vmem>>
      %dma_wait3A_686 = arith.constant 0 : i32
      %dma_wait3A_687 = tpu.memref_slice %arg13[%dma_wait3A_683, %dma_wait3A_686] : memref<8x128xi32, #tpu.memory_space<vmem>> -> memref<1x128xi32, #tpu.memory_space<vmem>>
      %dma_wait3A_688 = tpu.memref_squeeze %dma_wait3A_687 : memref<1x128xi32, #tpu.memory_space<vmem>> -> memref<128xi32, #tpu.memory_space<vmem>>
      %dma_wait3A_689 = arith.constant 0 : i32
      %dma_wait3A_690 = tpu.memref_slice %arg25[%dma_wait3A_689] : memref<1000000xf32, #tpu.memory_space<vmem_shared>> -> memref<1000000xf32, #tpu.memory_space<vmem_shared>>
      tpu.wait_indirect_dma semaphore(%arg28 : memref<!tpu.dma_semaphore, #tpu.memory_space<semaphore_mem>>) src(%dma_wait3A_690 : memref<1000000xf32, #tpu.memory_space<vmem_shared>>) dst(%dma_wait3A_685 : memref<128xf32, #tpu.memory_space<vmem>>)
      %dma_wait3A_691 = arith.constant 2 : i32
      %dma_wait3A_692 = arith.constant 256 : i32
      %dma_wait3A_693 = tpu.memref_slice %arg19[%dma_wait3A_692] : memref<1024xf32, #tpu.memory_space<vmem>> -> memref<128xf32, #tpu.memory_space<vmem>>
      %dma_wait3A_694 = arith.constant 0 : i32
      %dma_wait3A_695 = tpu.memref_slice %arg13[%dma_wait3A_691, %dma_wait3A_694] : memref<8x128xi32, #tpu.memory_space<vmem>> -> memref<1x128xi32, #tpu.memory_space<vmem>>
      %dma_wait3A_696 = tpu.memref_squeeze %dma_wait3A_695 : memref<1x128xi32, #tpu.memory_space<vmem>> -> memref<128xi32, #tpu.memory_space<vmem>>
      %dma_wait3A_697 = arith.constant 0 : i32
      %dma_wait3A_698 = tpu.memref_slice %arg25[%dma_wait3A_697] : memref<1000000xf32, #tpu.memory_space<vmem_shared>> -> memref<1000000xf32, #tpu.memory_space<vmem_shared>>
      tpu.wait_indirect_dma semaphore(%arg28 : memref<!tpu.dma_semaphore, #tpu.memory_space<semaphore_mem>>) src(%dma_wait3A_698 : memref<1000000xf32, #tpu.memory_space<vmem_shared>>) dst(%dma_wait3A_693 : memref<128xf32, #tpu.memory_space<vmem>>)
      %dma_wait3A_699 = arith.constant 3 : i32
      %dma_wait3A_700 = arith.constant 384 : i32
      %dma_wait3A_701 = tpu.memref_slice %arg19[%dma_wait3A_700] : memref<1024xf32, #tpu.memory_space<vmem>> -> memref<128xf32, #tpu.memory_space<vmem>>
      %dma_wait3A_702 = arith.constant 0 : i32
      %dma_wait3A_703 = tpu.memref_slice %arg13[%dma_wait3A_699, %dma_wait3A_702] : memref<8x128xi32, #tpu.memory_space<vmem>> -> memref<1x128xi32, #tpu.memory_space<vmem>>
      %dma_wait3A_704 = tpu.memref_squeeze %dma_wait3A_703 : memref<1x128xi32, #tpu.memory_space<vmem>> -> memref<128xi32, #tpu.memory_space<vmem>>
      %dma_wait3A_705 = arith.constant 0 : i32
      %dma_wait3A_706 = tpu.memref_slice %arg25[%dma_wait3A_705] : memref<1000000xf32, #tpu.memory_space<vmem_shared>> -> memref<1000000xf32, #tpu.memory_space<vmem_shared>>
      tpu.wait_indirect_dma semaphore(%arg28 : memref<!tpu.dma_semaphore, #tpu.memory_space<semaphore_mem>>) src(%dma_wait3A_706 : memref<1000000xf32, #tpu.memory_space<vmem_shared>>) dst(%dma_wait3A_701 : memref<128xf32, #tpu.memory_space<vmem>>)
      %dma_wait3A_707 = arith.constant 4 : i32
      %dma_wait3A_708 = arith.constant 512 : i32
      %dma_wait3A_709 = tpu.memref_slice %arg19[%dma_wait3A_708] : memref<1024xf32, #tpu.memory_space<vmem>> -> memref<128xf32, #tpu.memory_space<vmem>>
      %dma_wait3A_710 = arith.constant 0 : i32
      %dma_wait3A_711 = tpu.memref_slice %arg13[%dma_wait3A_707, %dma_wait3A_710] : memref<8x128xi32, #tpu.memory_space<vmem>> -> memref<1x128xi32, #tpu.memory_space<vmem>>
      %dma_wait3A_712 = tpu.memref_squeeze %dma_wait3A_711 : memref<1x128xi32, #tpu.memory_space<vmem>> -> memref<128xi32, #tpu.memory_space<vmem>>
      %dma_wait3A_713 = arith.constant 0 : i32
      %dma_wait3A_714 = tpu.memref_slice %arg25[%dma_wait3A_713] : memref<1000000xf32, #tpu.memory_space<vmem_shared>> -> memref<1000000xf32, #tpu.memory_space<vmem_shared>>
      tpu.wait_indirect_dma semaphore(%arg28 : memref<!tpu.dma_semaphore, #tpu.memory_space<semaphore_mem>>) src(%dma_wait3A_714 : memref<1000000xf32, #tpu.memory_space<vmem_shared>>) dst(%dma_wait3A_709 : memref<128xf32, #tpu.memory_space<vmem>>)
      %dma_wait3A_715 = arith.constant 5 : i32
      %dma_wait3A_716 = arith.constant 640 : i32
      %dma_wait3A_717 = tpu.memref_slice %arg19[%dma_wait3A_716] : memref<1024xf32, #tpu.memory_space<vmem>> -> memref<128xf32, #tpu.memory_space<vmem>>
      %dma_wait3A_718 = arith.constant 0 : i32
      %dma_wait3A_719 = tpu.memref_slice %arg13[%dma_wait3A_715, %dma_wait3A_718] : memref<8x128xi32, #tpu.memory_space<vmem>> -> memref<1x128xi32, #tpu.memory_space<vmem>>
      %dma_wait3A_720 = tpu.memref_squeeze %dma_wait3A_719 : memref<1x128xi32, #tpu.memory_space<vmem>> -> memref<128xi32, #tpu.memory_space<vmem>>
      %dma_wait3A_721 = arith.constant 0 : i32
      %dma_wait3A_722 = tpu.memref_slice %arg25[%dma_wait3A_721] : memref<1000000xf32, #tpu.memory_space<vmem_shared>> -> memref<1000000xf32, #tpu.memory_space<vmem_shared>>
      tpu.wait_indirect_dma semaphore(%arg28 : memref<!tpu.dma_semaphore, #tpu.memory_space<semaphore_mem>>) src(%dma_wait3A_722 : memref<1000000xf32, #tpu.memory_space<vmem_shared>>) dst(%dma_wait3A_717 : memref<128xf32, #tpu.memory_space<vmem>>)
      %dma_wait3A_723 = arith.constant 6 : i32
      %dma_wait3A_724 = arith.constant 768 : i32
      %dma_wait3A_725 = tpu.memref_slice %arg19[%dma_wait3A_724] : memref<1024xf32, #tpu.memory_space<vmem>> -> memref<128xf32, #tpu.memory_space<vmem>>
      %dma_wait3A_726 = arith.constant 0 : i32
      %dma_wait3A_727 = tpu.memref_slice %arg13[%dma_wait3A_723, %dma_wait3A_726] : memref<8x128xi32, #tpu.memory_space<vmem>> -> memref<1x128xi32, #tpu.memory_space<vmem>>
      %dma_wait3A_728 = tpu.memref_squeeze %dma_wait3A_727 : memref<1x128xi32, #tpu.memory_space<vmem>> -> memref<128xi32, #tpu.memory_space<vmem>>
      %dma_wait3A_729 = arith.constant 0 : i32
      %dma_wait3A_730 = tpu.memref_slice %arg25[%dma_wait3A_729] : memref<1000000xf32, #tpu.memory_space<vmem_shared>> -> memref<1000000xf32, #tpu.memory_space<vmem_shared>>
      tpu.wait_indirect_dma semaphore(%arg28 : memref<!tpu.dma_semaphore, #tpu.memory_space<semaphore_mem>>) src(%dma_wait3A_730 : memref<1000000xf32, #tpu.memory_space<vmem_shared>>) dst(%dma_wait3A_725 : memref<128xf32, #tpu.memory_space<vmem>>)
      %dma_wait3A_731 = arith.constant 7 : i32
      %dma_wait3A_732 = arith.constant 896 : i32
      %dma_wait3A_733 = tpu.memref_slice %arg19[%dma_wait3A_732] : memref<1024xf32, #tpu.memory_space<vmem>> -> memref<128xf32, #tpu.memory_space<vmem>>
      %dma_wait3A_734 = arith.constant 0 : i32
      %dma_wait3A_735 = tpu.memref_slice %arg13[%dma_wait3A_731, %dma_wait3A_734] : memref<8x128xi32, #tpu.memory_space<vmem>> -> memref<1x128xi32, #tpu.memory_space<vmem>>
      %dma_wait3A_736 = tpu.memref_squeeze %dma_wait3A_735 : memref<1x128xi32, #tpu.memory_space<vmem>> -> memref<128xi32, #tpu.memory_space<vmem>>
      %dma_wait3A_737 = arith.constant 0 : i32
      %dma_wait3A_738 = tpu.memref_slice %arg25[%dma_wait3A_737] : memref<1000000xf32, #tpu.memory_space<vmem_shared>> -> memref<1000000xf32, #tpu.memory_space<vmem_shared>>
      tpu.wait_indirect_dma semaphore(%arg28 : memref<!tpu.dma_semaphore, #tpu.memory_space<semaphore_mem>>) src(%dma_wait3A_738 : memref<1000000xf32, #tpu.memory_space<vmem_shared>>) dst(%dma_wait3A_733 : memref<128xf32, #tpu.memory_space<vmem>>)
      %dma_wait3A_739 = arith.constant 0 : i32
      %dma_wait3A_740 = arith.constant 0 : i32
      %dma_wait3A_741 = tpu.memref_slice %arg22[%dma_wait3A_740] : memref<1024xf32, #tpu.memory_space<vmem>> -> memref<128xf32, #tpu.memory_space<vmem>>
      %dma_wait3A_742 = arith.constant 0 : i32
      %dma_wait3A_743 = tpu.memref_slice %arg16[%dma_wait3A_739, %dma_wait3A_742] : memref<8x128xi32, #tpu.memory_space<vmem>> -> memref<1x128xi32, #tpu.memory_space<vmem>>
      %dma_wait3A_744 = tpu.memref_squeeze %dma_wait3A_743 : memref<1x128xi32, #tpu.memory_space<vmem>> -> memref<128xi32, #tpu.memory_space<vmem>>
      %dma_wait3A_745 = arith.constant 0 : i32
      %dma_wait3A_746 = tpu.memref_slice %arg25[%dma_wait3A_745] : memref<1000000xf32, #tpu.memory_space<vmem_shared>> -> memref<1000000xf32, #tpu.memory_space<vmem_shared>>
      tpu.wait_indirect_dma semaphore(%arg28 : memref<!tpu.dma_semaphore, #tpu.memory_space<semaphore_mem>>) src(%dma_wait3A_746 : memref<1000000xf32, #tpu.memory_space<vmem_shared>>) dst(%dma_wait3A_741 : memref<128xf32, #tpu.memory_space<vmem>>)
      %dma_wait3A_747 = arith.constant 1 : i32
      %dma_wait3A_748 = arith.constant 128 : i32
      %dma_wait3A_749 = tpu.memref_slice %arg22[%dma_wait3A_748] : memref<1024xf32, #tpu.memory_space<vmem>> -> memref<128xf32, #tpu.memory_space<vmem>>
      %dma_wait3A_750 = arith.constant 0 : i32
      %dma_wait3A_751 = tpu.memref_slice %arg16[%dma_wait3A_747, %dma_wait3A_750] : memref<8x128xi32, #tpu.memory_space<vmem>> -> memref<1x128xi32, #tpu.memory_space<vmem>>
      %dma_wait3A_752 = tpu.memref_squeeze %dma_wait3A_751 : memref<1x128xi32, #tpu.memory_space<vmem>> -> memref<128xi32, #tpu.memory_space<vmem>>
      %dma_wait3A_753 = arith.constant 0 : i32
      %dma_wait3A_754 = tpu.memref_slice %arg25[%dma_wait3A_753] : memref<1000000xf32, #tpu.memory_space<vmem_shared>> -> memref<1000000xf32, #tpu.memory_space<vmem_shared>>
      tpu.wait_indirect_dma semaphore(%arg28 : memref<!tpu.dma_semaphore, #tpu.memory_space<semaphore_mem>>) src(%dma_wait3A_754 : memref<1000000xf32, #tpu.memory_space<vmem_shared>>) dst(%dma_wait3A_749 : memref<128xf32, #tpu.memory_space<vmem>>)
      %dma_wait3A_755 = arith.constant 2 : i32
      %dma_wait3A_756 = arith.constant 256 : i32
      %dma_wait3A_757 = tpu.memref_slice %arg22[%dma_wait3A_756] : memref<1024xf32, #tpu.memory_space<vmem>> -> memref<128xf32, #tpu.memory_space<vmem>>
      %dma_wait3A_758 = arith.constant 0 : i32
      %dma_wait3A_759 = tpu.memref_slice %arg16[%dma_wait3A_755, %dma_wait3A_758] : memref<8x128xi32, #tpu.memory_space<vmem>> -> memref<1x128xi32, #tpu.memory_space<vmem>>
      %dma_wait3A_760 = tpu.memref_squeeze %dma_wait3A_759 : memref<1x128xi32, #tpu.memory_space<vmem>> -> memref<128xi32, #tpu.memory_space<vmem>>
      %dma_wait3A_761 = arith.constant 0 : i32
      %dma_wait3A_762 = tpu.memref_slice %arg25[%dma_wait3A_761] : memref<1000000xf32, #tpu.memory_space<vmem_shared>> -> memref<1000000xf32, #tpu.memory_space<vmem_shared>>
      tpu.wait_indirect_dma semaphore(%arg28 : memref<!tpu.dma_semaphore, #tpu.memory_space<semaphore_mem>>) src(%dma_wait3A_762 : memref<1000000xf32, #tpu.memory_space<vmem_shared>>) dst(%dma_wait3A_757 : memref<128xf32, #tpu.memory_space<vmem>>)
      %dma_wait3A_763 = arith.constant 3 : i32
      %dma_wait3A_764 = arith.constant 384 : i32
      %dma_wait3A_765 = tpu.memref_slice %arg22[%dma_wait3A_764] : memref<1024xf32, #tpu.memory_space<vmem>> -> memref<128xf32, #tpu.memory_space<vmem>>
      %dma_wait3A_766 = arith.constant 0 : i32
      %dma_wait3A_767 = tpu.memref_slice %arg16[%dma_wait3A_763, %dma_wait3A_766] : memref<8x128xi32, #tpu.memory_space<vmem>> -> memref<1x128xi32, #tpu.memory_space<vmem>>
      %dma_wait3A_768 = tpu.memref_squeeze %dma_wait3A_767 : memref<1x128xi32, #tpu.memory_space<vmem>> -> memref<128xi32, #tpu.memory_space<vmem>>
      %dma_wait3A_769 = arith.constant 0 : i32
      %dma_wait3A_770 = tpu.memref_slice %arg25[%dma_wait3A_769] : memref<1000000xf32, #tpu.memory_space<vmem_shared>> -> memref<1000000xf32, #tpu.memory_space<vmem_shared>>
      tpu.wait_indirect_dma semaphore(%arg28 : memref<!tpu.dma_semaphore, #tpu.memory_space<semaphore_mem>>) src(%dma_wait3A_770 : memref<1000000xf32, #tpu.memory_space<vmem_shared>>) dst(%dma_wait3A_765 : memref<128xf32, #tpu.memory_space<vmem>>)
      %dma_wait3A_771 = arith.constant 4 : i32
      %dma_wait3A_772 = arith.constant 512 : i32
      %dma_wait3A_773 = tpu.memref_slice %arg22[%dma_wait3A_772] : memref<1024xf32, #tpu.memory_space<vmem>> -> memref<128xf32, #tpu.memory_space<vmem>>
      %dma_wait3A_774 = arith.constant 0 : i32
      %dma_wait3A_775 = tpu.memref_slice %arg16[%dma_wait3A_771, %dma_wait3A_774] : memref<8x128xi32, #tpu.memory_space<vmem>> -> memref<1x128xi32, #tpu.memory_space<vmem>>
      %dma_wait3A_776 = tpu.memref_squeeze %dma_wait3A_775 : memref<1x128xi32, #tpu.memory_space<vmem>> -> memref<128xi32, #tpu.memory_space<vmem>>
      %dma_wait3A_777 = arith.constant 0 : i32
      %dma_wait3A_778 = tpu.memref_slice %arg25[%dma_wait3A_777] : memref<1000000xf32, #tpu.memory_space<vmem_shared>> -> memref<1000000xf32, #tpu.memory_space<vmem_shared>>
      tpu.wait_indirect_dma semaphore(%arg28 : memref<!tpu.dma_semaphore, #tpu.memory_space<semaphore_mem>>) src(%dma_wait3A_778 : memref<1000000xf32, #tpu.memory_space<vmem_shared>>) dst(%dma_wait3A_773 : memref<128xf32, #tpu.memory_space<vmem>>)
      %dma_wait3A_779 = arith.constant 5 : i32
      %dma_wait3A_780 = arith.constant 640 : i32
      %dma_wait3A_781 = tpu.memref_slice %arg22[%dma_wait3A_780] : memref<1024xf32, #tpu.memory_space<vmem>> -> memref<128xf32, #tpu.memory_space<vmem>>
      %dma_wait3A_782 = arith.constant 0 : i32
      %dma_wait3A_783 = tpu.memref_slice %arg16[%dma_wait3A_779, %dma_wait3A_782] : memref<8x128xi32, #tpu.memory_space<vmem>> -> memref<1x128xi32, #tpu.memory_space<vmem>>
      %dma_wait3A_784 = tpu.memref_squeeze %dma_wait3A_783 : memref<1x128xi32, #tpu.memory_space<vmem>> -> memref<128xi32, #tpu.memory_space<vmem>>
      %dma_wait3A_785 = arith.constant 0 : i32
      %dma_wait3A_786 = tpu.memref_slice %arg25[%dma_wait3A_785] : memref<1000000xf32, #tpu.memory_space<vmem_shared>> -> memref<1000000xf32, #tpu.memory_space<vmem_shared>>
      tpu.wait_indirect_dma semaphore(%arg28 : memref<!tpu.dma_semaphore, #tpu.memory_space<semaphore_mem>>) src(%dma_wait3A_786 : memref<1000000xf32, #tpu.memory_space<vmem_shared>>) dst(%dma_wait3A_781 : memref<128xf32, #tpu.memory_space<vmem>>)
      %dma_wait3A_787 = arith.constant 6 : i32
      %dma_wait3A_788 = arith.constant 768 : i32
      %dma_wait3A_789 = tpu.memref_slice %arg22[%dma_wait3A_788] : memref<1024xf32, #tpu.memory_space<vmem>> -> memref<128xf32, #tpu.memory_space<vmem>>
      %dma_wait3A_790 = arith.constant 0 : i32
      %dma_wait3A_791 = tpu.memref_slice %arg16[%dma_wait3A_787, %dma_wait3A_790] : memref<8x128xi32, #tpu.memory_space<vmem>> -> memref<1x128xi32, #tpu.memory_space<vmem>>
      %dma_wait3A_792 = tpu.memref_squeeze %dma_wait3A_791 : memref<1x128xi32, #tpu.memory_space<vmem>> -> memref<128xi32, #tpu.memory_space<vmem>>
      %dma_wait3A_793 = arith.constant 0 : i32
      %dma_wait3A_794 = tpu.memref_slice %arg25[%dma_wait3A_793] : memref<1000000xf32, #tpu.memory_space<vmem_shared>> -> memref<1000000xf32, #tpu.memory_space<vmem_shared>>
      tpu.wait_indirect_dma semaphore(%arg28 : memref<!tpu.dma_semaphore, #tpu.memory_space<semaphore_mem>>) src(%dma_wait3A_794 : memref<1000000xf32, #tpu.memory_space<vmem_shared>>) dst(%dma_wait3A_789 : memref<128xf32, #tpu.memory_space<vmem>>)
      %dma_wait3A_795 = arith.constant 7 : i32
      %dma_wait3A_796 = arith.constant 896 : i32
      %dma_wait3A_797 = tpu.memref_slice %arg22[%dma_wait3A_796] : memref<1024xf32, #tpu.memory_space<vmem>> -> memref<128xf32, #tpu.memory_space<vmem>>
      %dma_wait3A_798 = arith.constant 0 : i32
      %dma_wait3A_799 = tpu.memref_slice %arg16[%dma_wait3A_795, %dma_wait3A_798] : memref<8x128xi32, #tpu.memory_space<vmem>> -> memref<1x128xi32, #tpu.memory_space<vmem>>
      %dma_wait3A_800 = tpu.memref_squeeze %dma_wait3A_799 : memref<1x128xi32, #tpu.memory_space<vmem>> -> memref<128xi32, #tpu.memory_space<vmem>>
      %dma_wait3A_801 = arith.constant 0 : i32
      %dma_wait3A_802 = tpu.memref_slice %arg25[%dma_wait3A_801] : memref<1000000xf32, #tpu.memory_space<vmem_shared>> -> memref<1000000xf32, #tpu.memory_space<vmem_shared>>
      tpu.wait_indirect_dma semaphore(%arg28 : memref<!tpu.dma_semaphore, #tpu.memory_space<semaphore_mem>>) src(%dma_wait3A_802 : memref<1000000xf32, #tpu.memory_space<vmem_shared>>) dst(%dma_wait3A_797 : memref<128xf32, #tpu.memory_space<vmem>>)
      %barrier3A_803 = arith.constant 0 : index
      tpu.barrier barrier_id(%barrier3A_803)
      %eq3A_804 = arith.constant 0 : i32
      %eq3A_805 = arith.cmpi eq, %arg1, %eq3A_804 : i32
      %convert_element_type3A_806 = arith.extui %eq3A_805 : i1 to i32
      %cond3A_807 = arith.constant 0 : i32
      %cond3A_808 = arith.cmpi ne, %convert_element_type3A_806, %cond3A_807 : i32
      scf.if %cond3A_808 {
        %dma_start3A_823 = arith.constant 0 : i32
        %dma_start3A_824 = tpu.memref_slice %arg2[%min3A_29, %dma_start3A_823] : memref<64x1000000xf32, #tpu.memory_space<hbm>> -> memref<1x1000000xf32, #tpu.memory_space<hbm>>
        %dma_start3A_825 = tpu.memref_squeeze %dma_start3A_824 : memref<1x1000000xf32, #tpu.memory_space<hbm>> -> memref<1000000xf32, #tpu.memory_space<hbm>>
        tpu.enqueue_dma source(%dma_start3A_825 : memref<1000000xf32, #tpu.memory_space<hbm>>) target(%arg25 : memref<1000000xf32, #tpu.memory_space<vmem_shared>>) target_semaphore(%arg26 : memref<!tpu.dma_semaphore, #tpu.memory_space<semaphore_mem>>)
      } else {
      }
      %scan3A_809 = arith.constant 0 : i32
      %scan3A_810 = arith.constant 0 : i32
      %scan3A_811 = arith.constant 64 : i32
      %scan3A_812 = arith.addi %scan3A_810, %scan3A_811 : i32
      %scan3A_813 = arith.constant 1 : i32
      %scan3A_814 = scf.for %scan3A_823 = %scan3A_810 to %scan3A_812 step %scan3A_813 iter_args(%scan3A_824 = %scan3A_809) -> (i32)  : i32 {
        %mul3A_825 = arith.constant 16 : i32
        %mul3A_826 = arith.muli %scan3A_823, %mul3A_825 : i32
        %get3A = arith.index_cast %mul3A_826 : i32 to index
        %get3A_827 = tpu.vector_load %arg17[%get3A] {strides = array<i32>} : memref<1024xf32, #tpu.memory_space<vmem>>, vector<16xf32>,
        %get3A_828 = arith.index_cast %mul3A_826 : i32 to index
        %get3A_829 = tpu.vector_load %arg19[%get3A_828] {strides = array<i32>} : memref<1024xf32, #tpu.memory_space<vmem>>, vector<16xf32>,
        %add3A_830 = arith.addf %get3A_827, %get3A_829 : vector<16xf32>
        %get3A_831 = arith.index_cast %mul3A_826 : i32 to index
        %get3A_832 = tpu.vector_load %arg18[%get3A_831] {strides = array<i32>} : memref<1024xf32, #tpu.memory_space<vmem>>, vector<16xf32>,
        %sub3A = arith.subf %add3A_830, %get3A_832 : vector<16xf32>
        %get3A_833 = arith.index_cast %mul3A_826 : i32 to index
        %get3A_834 = tpu.vector_load %arg23[%get3A_833] {strides = array<i32>} : memref<1024xf32, #tpu.memory_space<vmem>>, vector<16xf32>,
        %mul3A_835 = arith.mulf %sub3A, %sub3A : vector<16xf32>
        %add3A_836 = arith.addf %get3A_834, %mul3A_835 : vector<16xf32>
        %swap3A = arith.index_cast %mul3A_826 : i32 to index
        %swap3A_837 = tpu.vector_load %arg23[%swap3A] {strides = array<i32>} : memref<1024xf32, #tpu.memory_space<vmem>>, vector<16xf32>,
        tpu.vector_store %arg23[%swap3A], %add3A_836 {strides = array<i32>} : memref<1024xf32, #tpu.memory_space<vmem>>, vector<16xf32>,
        %get3A_838 = arith.index_cast %mul3A_826 : i32 to index
        %get3A_839 = tpu.vector_load %arg20[%get3A_838] {strides = array<i32>} : memref<1024xf32, #tpu.memory_space<vmem>>, vector<16xf32>,
        %get3A_840 = arith.index_cast %mul3A_826 : i32 to index
        %get3A_841 = tpu.vector_load %arg22[%get3A_840] {strides = array<i32>} : memref<1024xf32, #tpu.memory_space<vmem>>, vector<16xf32>,
        %add3A_842 = arith.addf %get3A_839, %get3A_841 : vector<16xf32>
        %get3A_843 = arith.index_cast %mul3A_826 : i32 to index
        %get3A_844 = tpu.vector_load %arg21[%get3A_843] {strides = array<i32>} : memref<1024xf32, #tpu.memory_space<vmem>>, vector<16xf32>,
        %sub3A_845 = arith.subf %add3A_842, %get3A_844 : vector<16xf32>
        %get3A_846 = arith.index_cast %mul3A_826 : i32 to index
        %get3A_847 = tpu.vector_load %arg24[%get3A_846] {strides = array<i32>} : memref<1024xf32, #tpu.memory_space<vmem>>, vector<16xf32>,
        %mul3A_848 = arith.mulf %sub3A_845, %sub3A_845 : vector<16xf32>
        %add3A_849 = arith.addf %get3A_847, %mul3A_848 : vector<16xf32>
        %swap3A_850 = arith.index_cast %mul3A_826 : i32 to index
        %swap3A_851 = tpu.vector_load %arg24[%swap3A_850] {strides = array<i32>} : memref<1024xf32, #tpu.memory_space<vmem>>, vector<16xf32>,
        tpu.vector_store %arg24[%swap3A_850], %add3A_849 {strides = array<i32>} : memref<1024xf32, #tpu.memory_space<vmem>>, vector<16xf32>,
        %scan3A_852 = arith.constant 0 : i32
        scf.yield %scan3A_852 : i32
      }
      %scan3A_815 = arith.constant 64 : i32
      %eq3A_816 = arith.constant 0 : i32
      %eq3A_817 = arith.cmpi eq, %arg1, %eq3A_816 : i32
      %convert_element_type3A_818 = arith.extui %eq3A_817 : i1 to i32
      %cond3A_819 = arith.constant 0 : i32
      %cond3A_820 = arith.cmpi ne, %convert_element_type3A_818, %cond3A_819 : i32
      scf.if %cond3A_820 {
        %dma_wait3A_823 = arith.constant 0 : i32
        %dma_wait3A_824 = tpu.memref_slice %arg2[%min3A_29, %dma_wait3A_823] : memref<64x1000000xf32, #tpu.memory_space<hbm>> -> memref<1x1000000xf32, #tpu.memory_space<hbm>>
        %dma_wait3A_825 = tpu.memref_squeeze %dma_wait3A_824 : memref<1x1000000xf32, #tpu.memory_space<hbm>> -> memref<1000000xf32, #tpu.memory_space<hbm>>
        tpu.wait_dma2 semaphore(%arg26 : memref<!tpu.dma_semaphore, #tpu.memory_space<semaphore_mem>>) src(%dma_wait3A_825 : memref<1000000xf32, #tpu.memory_space<hbm>>) dst(%arg25 : memref<1000000xf32, #tpu.memory_space<vmem_shared>>)
      } else {
      }
      %barrier3A_821 = arith.constant 0 : index
      tpu.barrier barrier_id(%barrier3A_821)
      %scan3A_822 = arith.constant 0 : i32
      scf.yield %scan3A_822 : i32
    }
    %scan3A_17 = arith.constant 32 : i32
    %mul3A_18 = arith.constant 32768 : i32
    %mul3A_19 = arith.muli %arg0, %mul3A_18 : i32
    %mul3A_20 = arith.constant 1024 : i32
    %mul3A_21 = arith.muli %arg1, %mul3A_20 : i32
    %add3A = arith.addi %mul3A_19, %mul3A_21 : i32
    "tpu.region"() ({
      %run_scoped3A = tpu.sem_alloc : memref<!tpu.dma_semaphore, #tpu.memory_space<semaphore_mem>>
      %dma_start3A = tpu.memref_slice %arg10[%add3A] : memref<65536xf32, #tpu.memory_space<hbm>> -> memref<1024xf32, #tpu.memory_space<hbm>>
      %dma_start3A_24 = tpu.memref_slice %arg10[%add3A] : memref<65536xf32, #tpu.memory_space<hbm>> -> memref<1024xf32, #tpu.memory_space<hbm>>
      tpu.enqueue_dma source(%arg23 : memref<1024xf32, #tpu.memory_space<vmem>>) target(%dma_start3A_24 : memref<1024xf32, #tpu.memory_space<hbm>>) target_semaphore(%run_scoped3A : memref<!tpu.dma_semaphore, #tpu.memory_space<semaphore_mem>>)
      %dma_wait3A = tpu.memref_slice %arg10[%add3A] : memref<65536xf32, #tpu.memory_space<hbm>> -> memref<1024xf32, #tpu.memory_space<hbm>>
      %dma_wait3A_25 = tpu.memref_slice %arg10[%add3A] : memref<65536xf32, #tpu.memory_space<hbm>> -> memref<1024xf32, #tpu.memory_space<hbm>>
      tpu.wait_dma2 semaphore(%run_scoped3A : memref<!tpu.dma_semaphore, #tpu.memory_space<semaphore_mem>>) src(%arg23 : memref<1024xf32, #tpu.memory_space<vmem>>) dst(%dma_wait3A_25 : memref<1024xf32, #tpu.memory_space<hbm>>)
      tpu.yield
    }) : () -> ()
    %add3A_22 = arith.constant 16384 : i32
    %add3A_23 = arith.addi %add3A, %add3A_22 : i32
    "tpu.region"() ({
      %run_scoped3A = tpu.sem_alloc : memref<!tpu.dma_semaphore, #tpu.memory_space<semaphore_mem>>
      %dma_start3A = tpu.memref_slice %arg10[%add3A_23] : memref<65536xf32, #tpu.memory_space<hbm>> -> memref<1024xf32, #tpu.memory_space<hbm>>
      %dma_start3A_24 = tpu.memref_slice %arg10[%add3A_23] : memref<65536xf32, #tpu.memory_space<hbm>> -> memref<1024xf32, #tpu.memory_space<hbm>>
      tpu.enqueue_dma source(%arg24 : memref<1024xf32, #tpu.memory_space<vmem>>) target(%dma_start3A_24 : memref<1024xf32, #tpu.memory_space<hbm>>) target_semaphore(%run_scoped3A : memref<!tpu.dma_semaphore, #tpu.memory_space<semaphore_mem>>)
      %dma_wait3A = tpu.memref_slice %arg10[%add3A_23] : memref<65536xf32, #tpu.memory_space<hbm>> -> memref<1024xf32, #tpu.memory_space<hbm>>
      %dma_wait3A_25 = tpu.memref_slice %arg10[%add3A_23] : memref<65536xf32, #tpu.memory_space<hbm>> -> memref<1024xf32, #tpu.memory_space<hbm>>
      tpu.wait_dma2 semaphore(%run_scoped3A : memref<!tpu.dma_semaphore, #tpu.memory_space<semaphore_mem>>) src(%arg24 : memref<1024xf32, #tpu.memory_space<vmem>>) dst(%dma_wait3A_25 : memref<1024xf32, #tpu.memory_space<hbm>>)
      tpu.yield
    }) : () -> ()
    return
  }
}

module attributes {stable_mosaic.version = 14 : i64} {
  func.func @_epilogue_kernel(%arg0: memref<4x128x128xf32, #tpu.memory_space<vmem>>, %arg1: memref<1x1xf32, #tpu.memory_space<vmem>>) attributes {dimension_semantics = [], scalar_prefetch = 0 : i64, scratch_operands = 0 : i64, tpu.core_type = #tpu.core_type<tc>} {
    %get3A = arith.constant 0 : index
    %get3A_0 = arith.constant 0 : index
    %get3A_1 = arith.constant 0 : index
    %get3A_2 = vector.load %arg0[%get3A, %get3A_0, %get3A_1] : memref<4x128x128xf32, #tpu.memory_space<vmem>>, vector<1x128x128xf32>
    %get3A_3 = vector.shape_cast %get3A_2 : vector<1x128x128xf32> to vector<128x128xf32>
    %get3A_4 = arith.constant 2 : index
    %get3A_5 = arith.constant 0 : index
    %get3A_6 = arith.constant 0 : index
    %get3A_7 = vector.load %arg0[%get3A_4, %get3A_5, %get3A_6] : memref<4x128x128xf32, #tpu.memory_space<vmem>>, vector<1x128x128xf32>
    %get3A_8 = vector.shape_cast %get3A_7 : vector<1x128x128xf32> to vector<128x128xf32>
    %add3A = arith.addf %get3A_3, %get3A_8 : vector<128x128xf32>
    %get3A_9 = arith.constant 1 : index
    %get3A_10 = arith.constant 0 : index
    %get3A_11 = arith.constant 0 : index
    %get3A_12 = vector.load %arg0[%get3A_9, %get3A_10, %get3A_11] : memref<4x128x128xf32, #tpu.memory_space<vmem>>, vector<1x128x128xf32>
    %get3A_13 = vector.shape_cast %get3A_12 : vector<1x128x128xf32> to vector<128x128xf32>
    %get3A_14 = arith.constant 3 : index
    %get3A_15 = arith.constant 0 : index
    %get3A_16 = arith.constant 0 : index
    %get3A_17 = vector.load %arg0[%get3A_14, %get3A_15, %get3A_16] : memref<4x128x128xf32, #tpu.memory_space<vmem>>, vector<1x128x128xf32>
    %get3A_18 = vector.shape_cast %get3A_17 : vector<1x128x128xf32> to vector<128x128xf32>
    %add3A_19 = arith.addf %get3A_13, %get3A_18 : vector<128x128xf32>
    %sqrt3A = math.sqrt %add3A : vector<128x128xf32>
    %sqrt3A_20 = math.sqrt %add3A_19 : vector<128x128xf32>
    %sub3A = arith.subf %sqrt3A, %sqrt3A_20 : vector<128x128xf32>
    %max3A = arith.constant -6.000000e+00 : f32
    %max3A_21 = vector.broadcast %max3A : f32 to vector<128x128xf32>
    %max3A_22 = arith.maximumf %sub3A, %max3A_21 : vector<128x128xf32>
    %reduce_sum3A = vector.shape_cast %max3A_22 : vector<128x128xf32> to vector<1x128x128xf32>
    %reduce_sum3A_23 = arith.constant dense<0.000000e+00> : vector<1xf32>
    %reduce_sum3A_24 = vector.multi_reduction <add>, %reduce_sum3A, %reduce_sum3A_23 [1, 2] : vector<1x128x128xf32> to vector<1xf32>
    %reduce_sum3A_25 = vector.shape_cast %reduce_sum3A_24 : vector<1xf32> to vector<1x1x1xf32>
    %reduce_sum3A_26 = vector.extract %reduce_sum3A_25[0, 0, 0] : f32 from vector<1x1x1xf32>
    %div3A = arith.constant 1.638400e+04 : f32
    %div3A_27 = arith.divf %reduce_sum3A_26, %div3A : f32
    %add3A_28 = arith.constant 6.000000e+00 : f32
    %add3A_29 = arith.addf %div3A_27, %add3A_28 : f32
    %reshape3A = vector.broadcast %add3A_29 : f32 to vector<1x1xf32>
    %swap3A = arith.constant 0 : index
    %swap3A_30 = arith.constant 0 : index
    %swap3A_31 = vector.load %arg1[%swap3A, %swap3A_30] : memref<1x1xf32, #tpu.memory_space<vmem>>, vector<1x1xf32>
    tpu.vector_store %arg1[%swap3A, %swap3A_30], %reshape3A {strides = array<i32>} : memref<1x1xf32, #tpu.memory_space<vmem>>, vector<1x1xf32>,
    return
  }
}

</mosaic_0001>

<sc_bundles>
// kernel: kernel.4.cloned.1.call-start
scs
__scs_entry_jumppad:
0x0: {  	(pc) =	sbr.rel $0x88, $3  }
0x1: {  	(tag) =	ssettag $0x0;
	lr =	simm.s32 $0x1  }
0x2: {  	[smem:$0x3F9D] =	sst lr;
	_ =	strace $0xD0000000  }
0x3: {  	_ = 	snop  }
0x4: {  	_ = 	snop  }
0x5: {  	_ = 	snop  }
0x6: {  	_ = 	snop  }
0x7: {  	_ = 	snop  }
__scs_overlays_trampoline_lowered:
0x8: {  	[smem:$0x3FAC] =	sst s0  }
0x9: {  	[smem:$0x3FAD] =	sst s1  }
0xa: {  	[smem:$0x3FAE] =	sst s2  }
0xb: {  	[smem:$0x3FAF] =	sst s3  }
0xc: {  	[smem:$0x3FB0] =	sst s4  }
0xd: {  	[smem:$0x3FB1] =	sst s5  }
0xe: {  	[smem:$0x3FB2] =	sst s6  }
0xf: {  	[smem:$0x3FB3] =	sst s7  }
0x10: {  	[smem:$0x3FB4] =	sst s8  }
0x11: {  	[smem:$0x3FB5] =	sst s9;
	s0 =	simm.s32 @!p0 $0x0  }
0x12: {  	s1 =	sld [smem:$0x3F9B];
	s0 =	simm.s32 @p0 $0x1  }
0x13: {  	[smem:$0x3FB6] =	sst s0;
	s0 =	simm.s32 @!p1 $0x0  }
0x14: {  	s2 =	sld [smem:$0x3F9A];
	s0 =	simm.s32 @p1 $0x1  }
0x15: {  	[smem:$0x3FB7] =	sst s0;
	s0 =	simm.s32 @!p2 $0x0  }
0x16: {  	s3 =	sld [smem:$0x3FDB];
	s0 =	simm.s32 @p2 $0x1  }
0x17: {  	s4 =	simm.s32 $0x1BF5;
	[smem:$0x3FB9] =	sst s0  }
0x18: {  	s0 =	sld [smem:$0x3F9C];
	_ =	swait.ge [sflag:s4], $0x0  }
0x19: {  	s7 =	sld [smem:$0x3F9D]  }
0x1a: {  	s8 =	sadd.s32 $0xFFFFE003, lr  }
0x1b: {  	s9 =	sadd.s32 $0xFFFFFEF7, lr;
	s5 =	simm.s32 $0xFFFFFFFF;
	p2 =	slt.u32 s8, $0xFFFFF086  }
0x1c: {  	p1 =	slt.u32 s9, $0xF7A;
	s5 =	simm.s32 @!p2 $0x0  }
0x1d: {  	s5 =	simm.s32 @p1 $0x1;
	p0 =	seq.s32 s7, s2  }
0x1e: {  	s7 =	smul.u32 @!p0 $0xF7A, s2;
	p2 =	seq.s32 @!p0 s5, $0x0  }
0x1f: {  	s9 =	smul.u32 $0xF7A, s1;
	s8 =	simm.s32 @!p0 $0x1BF5;
	p2 =	por !p2, p0  }
0x20: {  	[sflag:s8] =	ssyncset.s32 @!p0 $0xFFFFF086;
	s6 =	sadd.s32 @!p0 s3, s7;
	s7 =	simm.s32 @!p0 $0x108  }
0x21: {  	s3 =	sadd.s32 s3, s9;
	s6 =	sadd.s32 @!p0 $0x88, s6;
	s7 =	simm.s32 @p2 $0x1082  }
0x22: {  	[simem:s7], [sflag:s8] =	dma.local @!p0 [hbm:s6], $0xF7A  }
0x23: {  	s9 =	sor.u32 $0xD0000000, s2;
	s6 =	simm.s32 $0x108;
	_ =	swait.ge @!p0 [sflag:s8], $0x0  }
0x24: {  	s3 =	sadd.s32 $0x88, s3;
	s6 =	simm.s32 @!p1 $0x1082;
	[sflag:s4] =	ssyncset.s32 $0xFFFFF086  }
0x25: {  	[simem:s6], [sflag:s4] =	dma.local [hbm:s3], $0xF7A  }
0x26: {  	[smem:$0x3F9D] =	sst s1;
	(tag) =	ssettag s2;
	_ =	strace s9  }
0x27: {  	s1 =	sld [smem:$0x3FAD]  }
0x28: {  	s2 =	sld [smem:$0x3FAE]  }
0x29: {  	s4 =	sld [smem:$0x3FB0]  }
0x2a: {  	p0 =	seq.s32 s5, $0x0;
	s5 =	sld [smem:$0x3FB1]  }
0x2b: {  	s6 =	sld [smem:$0x3FB2]  }
0x2c: {  	s7 =	sld [smem:$0x3FB3]  }
0x2d: {  	s3 =	simm.s32 $0x108;
	s8 =	sld [smem:$0x3FB4]  }
0x2e: {  	s3 =	simm.s32 @!p0 $0x1082;
	s9 =	sld [smem:$0x3FB5]  }
0x2f: {  	lr =	sadd.s32 s0, s3;
	s0 =	sld [smem:$0x3FAC]  }
0x30: {  	s3 =	sld [smem:$0x3FAF]  }
0x31: {  	[smem:$0x3FB8] =	sst s10  }
0x32: {  	s10 =	sld [smem:$0x3FB6];
	_ =	sdelay $0x3  }
0x33: {  	p0 =	seq.s32 s10, $0x1;
	s10 =	sld [smem:$0x3FB8];
	_ =	sdelay $0x3  }
0x34: {  	[smem:$0x3FB8] =	sst s10  }
0x35: {  	s10 =	sld [smem:$0x3FB7];
	_ =	sdelay $0x3  }
0x36: {  	p1 =	seq.s32 s10, $0x1;
	s10 =	sld [smem:$0x3FB8];
	_ =	sdelay $0x3  }
0x37: {  	[smem:$0x3FB8] =	sst s10  }
0x38: {  	s10 =	sld [smem:$0x3FB9]  }
0x39: {  	_ = 	snop;
	(pc) =	sbr.ind lr, $3  }
0x3a: {  	_ = 	snop  }
0x3b: {  	_ = 	snop  }
0x3c: {  	p2 =	seq.s32 s10, $0x1;
	s10 =	sld [smem:$0x3FB8]  }
0x3d: {  	_ =	shalt  }
0x3e: {  	_ =	shalt  }
0x3f: {  	_ =	shalt  }
0x40: {  	_ =	shalt  }
0x41: {  	_ =	shalt  }
0x42: {  	_ =	shalt  }
0x43: {  	_ =	shalt  }
0x44: {  	_ =	shalt  }
0x45: {  	_ =	shalt  }
0x46: {  	_ =	shalt  }
0x47: {  	_ =	shalt  }
0x48: {  	_ =	shalt  }
0x49: {  	_ =	shalt  }
0x4a: {  	_ =	shalt  }
0x4b: {  	_ =	shalt  }
0x4c: {  	_ =	shalt  }
0x4d: {  	_ =	shalt  }
0x4e: {  	_ =	shalt  }
0x4f: {  	_ =	shalt  }
0x50: {  	_ =	shalt  }
0x51: {  	_ =	shalt  }
0x52: {  	_ =	shalt  }
0x53: {  	_ =	shalt  }
0x54: {  	_ =	shalt  }
0x55: {  	_ =	shalt  }
0x56: {  	_ =	shalt  }
0x57: {  	_ =	shalt  }
0x58: {  	_ =	shalt  }
0x59: {  	_ =	shalt  }
0x5a: {  	_ =	shalt  }
0x5b: {  	_ =	shalt  }
0x5c: {  	_ =	shalt  }
0x5d: {  	_ =	shalt  }
0x5e: {  	_ =	shalt  }
0x5f: {  	_ =	shalt  }
0x60: {  	_ =	shalt  }
0x61: {  	_ =	shalt  }
0x62: {  	_ =	shalt  }
0x63: {  	_ =	shalt  }
0x64: {  	_ =	shalt  }
0x65: {  	_ =	shalt  }
0x66: {  	_ =	shalt  }
0x67: {  	_ =	shalt  }
0x68: {  	_ =	shalt  }
0x69: {  	_ =	shalt  }
0x6a: {  	_ =	shalt  }
0x6b: {  	_ =	shalt  }
0x6c: {  	_ =	shalt  }
0x6d: {  	_ =	shalt  }
0x6e: {  	_ =	shalt  }
0x6f: {  	_ =	shalt  }
0x70: {  	_ =	shalt  }
0x71: {  	_ =	shalt  }
0x72: {  	_ =	shalt  }
0x73: {  	_ =	shalt  }
0x74: {  	_ =	shalt  }
0x75: {  	_ =	shalt  }
0x76: {  	_ =	shalt  }
0x77: {  	_ =	shalt  }
0x78: {  	_ =	shalt  }
0x79: {  	_ =	shalt  }
0x7a: {  	_ =	shalt  }
0x7b: {  	_ =	shalt  }
0x7c: {  	_ =	shalt  }
0x7d: {  	_ =	shalt  }
0x7e: {  	_ =	shalt  }
0x7f: {  	_ =	shalt  }
0x80: {  	_ =	shalt  }
0x81: {  	_ =	shalt  }
0x82: {  	_ =	shalt  }
0x83: {  	_ =	shalt  }
0x84: {  	_ =	shalt  }
0x85: {  	_ =	shalt  }
0x86: {  	_ =	shalt  }
0x87: {  	_ =	shalt  }
.Lfunc_end0:
.L_simem_size_0:
called_computation_lowered:
.L_overlay_start_0:
0x88: {  	s2 =	sld [smem:$0x3FD9]  }
0x89: {  	s3 =	sld [smem:$0x3FFE];
	_ =	sdelay $0x1  }
0x8a: {  	s1 =	srdreg.scid  }
0x8b: {  	s0 =	sand.u32 $0x1, s1  }
0x8c: {  	s17 =	sshll.u32 s0, $0xA;
	s2 =	sadd.s32 s3, s2  }
0x8d: {  	s2 =	sadd.s32 s2, s17  }
0x8e: {  	[smem:$0x3FC4] =	sst s2  }
0x8f: {  	_ = 	snop  }
0x90: {  	s2 =	sld [smem:$0x3FC7]  }
0x91: {  	s18 =	sld [smem:$0x3FC6];
	(tm) =	ssettm $0x1  }
0x92: {  	s4 =	sld [smem:$0x3FFB];
	_ =	sdelay $0x3  }
0x93: {  	_ =	strace s4  }
0x94: {  	s4 =	sld [smem:$0x3FFC];
	_ =	sdelay $0x3  }
0x95: {  	_ =	strace s4  }
0x96: {  	s4 =	sld [smem:$0x3FFD];
	_ =	sdelay $0x3  }
0x97: {  	_ =	strace s4  }
0x98: {  	_ =	strace $0x8FFFFFFF  }
0x99: {  	s19 =	sld [smem:$0x3FDB];
	_ =	sdelay $0x1  }
0x9a: {  	s5 =	simm.s32 $_scs_section_size  }
0x9b: {  	s6 =	simm.s32 $_size__tile_overlayer_lowered;
	s7 =	simm.s32 $_tile_overlayer_lowered  }
0x9c: {  	s22 =	simm.s32 $0x1BFF;
	s21 =	sshll.u32 s7, $0x1;
	s4 =	sadd.s32 s5, s19  }
0x9d: {  	s8 =	simm.s32 $0x0;
	s20 =	sshll.u32 s6, $0x1;
	s6 =	sadd.s32 s21, s4  }
0x9e: {  	[timem:s8], [sflag:s22] =	dma.local [hbm:s6], s20  }
0x9f: {  	_ =	swait.ge [sflag:s22], s20  }
0xa0: {  	s5 =	ssub.s32 $0x0, s20;
	[sflag:s22] =	ssyncset.done $0x0  }
0xa1: {  	[sflag:s22] =	ssyncadd.s32 s5;
	_ =	sdelay $0x1  }
0xa2: {  	s23 =	simm.s32 $0x1B8B  }
0xa3: {  	_ =	swait.ge [sflag:s23], $0x1  }
0xa4: {  	[sflag:s23] =	ssyncset.done $0x0  }
0xa5: {  	s25 =	simm.s32 $0x1B8E;
	s24 =	sld [smem:$0x3FFE];
	[sflag:s23] =	ssyncadd.s32 $0xFFFFFFFF  }
0xa6: {  	s26 =	simm.s32 $execute0_lowered;
	[smem:$0x3FD2] =	sst s25  }
0xa7: {  	s6 =	sshll.u32 s26, $0x1;
	_ =	strace $0x80000046;
	[dreg:$0x1] =	wrdreg $0xFFFFFFFF  }
0xa8: {  	s28 =	simm.s32 $_size_execute0_lowered;
	s4 =	sadd.s32 s4, s6;
	[dreg:$0x0] =	wrdreg $0x0  }
0xa9: {  	s6 =	sshll.u32 s28, $0x1;
	[dreg:$0x2] =	wrdreg s4  }
0xaa: {  	[dreg:$0x3] =	wrdreg s6  }
0xab: {  	[dreg:$0x4] =	wrdreg $0xC0  }
0xac: {  	_ =	task [dreg:s8], $0x5FFFF  }
0xad: {  	[dreg:$0x1] =	wrdreg $0xFFFFFFFF  }
0xae: {  	[dreg:$0x0] =	wrdreg $0x60  }
0xaf: {  	[dreg:$0x2] =	wrdreg s2  }
0xb0: {  	[dreg:$0x3] =	wrdreg s18  }
0xb1: {  	[dreg:$0x4] =	wrdreg s24  }
0xb2: {  	[dreg:$0x5] =	wrdreg $0x38000  }
0xb3: {  	[dreg:$0x6] =	wrdreg $0x9  }
0xb4: {  	_ =	task.clear_ibuf [dreg:s8], $0x7FFFF;
	_ =	strace $0x90000046  }
0xb5: {  	s29 =	simm.s32 $0x9;
	_ =	strace $0x80000048  }
0xb6: {  	_ =	swait.ge [sflag:s29], $0x1  }
0xb7: {  	[sflag:s29] =	ssyncadd.s32 $0xFFFFFFFF  }
0xb8: {  	_ =	strace $0x90000048  }
0xb9: {  	_ =	sfence  }
0xba: {  	s30 =	sld [smem:$0x0];
	_ =	sdelay $0x2  }
0xbb: {  	s31 =	sshll.u32 s1, $0xD;
	s1 =	sshrl.u32 s1, $0x2  }
0xbc: {  	s3 =	sand.u32 $0x4000, s31;
	s1 =	sadd.s32 s1, s30  }
0xbd: {  	s0 =	sor.u32 s3, s0;
	s1 =	sshll.u32 s1, $0x11  }
0xbe: {  	s0 =	sor.u32 s1, s0  }
0xbf: {  	s0 =	sadd.s32 $0x8F2B, s0  }
0xc0: {  	[sflag:s0] =	ssyncadd.remote.s32 $0x1  }
0xc1: {  	_ =	sfence.sel $0xFFFF  }
0xc2: {  	[dreg:$0x0] =	wrdreg $0xFFFFFFFF;
	(pc) =	sbr.abs _section_cstart, $3  }
0xc3: {  	[dreg:$0x1] =	wrdreg $0xFFFFFFFF  }
0xc4: {  	_ =	task.clear_ibuf [dreg:s8], $0x2FFFF;
	_ =	strace $0x9FFFFFFF  }
0xc5: {  	(tm) =	ssettm $0x7FFFFFFF  }
tec
execute0_lowered:
.L_overlay_start_1:
0x0: {  	(tag) =	ssettag $0x1  }
0x1: {  	s8 =	rddreg [dreg:$0x0]  }
0x2: {  	s0 =	rddreg [dreg:$0x2]  }
0x3: {  	s3 =	rddreg [dreg:$0x3]  }
0x4: {  	s16 =	simm.s32 $0x0;
	s1 =	srdreg.scid;
	s2 =	stileid.u32  }
0x5: {  	s28 =	simm.s32 $0x1480;
	s29 =	simm.s32 $0x2C80;
	s30 =	simm.s32 $0x1500  }
0x6: {  	s31 =	simm.s32 $0x2D00;
	s9 =	simm.s32 $0x1780;
	s10 =	simm.s32 $0x2F80  }
0x7: {  	[smem:$0x7FF] =	sst s16;
	s1 =	sand.u32 $0x1, s1;
	s4 =	sshll.u32 s2, $0x7  }
0x8: {  	p0 =	sne.s32 s2, $0x0;
	p1 =	sne.s32 s2, $0x1;
	s2 =	simm.s32 $0x0  }
0x9: {  	_ =	strace $0x80000047;
	s5 =	sshll.u32 s1, $0xC;
	s7 =	sadd.s32 s4, s0  }
0xa: {  	s6 =	ssub.s32 $0x2, s1;
	s4 =	sor.u32 s4, s5;
	s19 =	sadd.s32 $0x1A00, s7  }
0xb: {  	s17 =	sshrl.u32 s6, $0x1;
	s20 =	sadd.s32 $0x1200, s7;
	[dreg:$0x5] =	wrdreg s19  }
0xc: {  	s5 =	sshll.u32 s1, $0x5;
	s21 =	sadd.s32 $0xA00, s7;
	[dreg:$0x6] =	wrdreg s20  }
0xd: {  	s1 =	smul.u32 $0x3D0A00, s1;
	s22 =	sadd.s32 $0x3200, s7;
	[dreg:$0x7] =	wrdreg s21  }
0xe: {  	s23 =	sadd.s32 $0x2A00, s7;
	s24 =	sadd.s32 $0x2200, s7;
	[dreg:$0x8] =	wrdreg s22  }
0xf: {  	s7 =	simm.s32 $0x3;
	s0 =	sadd.s32 s4, s0;
	[dreg:$0x9] =	wrdreg s23  }
0x10: {  	s18 =	ssub.s32 s6, s17;
	[dreg:$0xa] =	wrdreg s24;
	s4 =	simm.s32 $0x4  }
0x11: {  	s22 =	sshrl.u32 @!p0 s3, $0x3;
	s23 =	simm.s32 $0x80;
	s17 =	simm.s32 $0x1580  }
0x12: {  	s6 =	simm.s32 $0x2E00;
	s19 =	simm.s32 $0x1680;
	s1 =	sadd.s32 s8, s1  }
0x13: {  	s20 =	simm.s32 $0x2E80;
	s25 =	sadd.s32 $0x3A00, s0;
	[dreg:$0xb] =	wrdreg s1  }
0x14: {  	s21 =	simm.s32 $0x2F00;
	s0 =	sadd.s32 $0x4200, s0;
	[dreg:$0xc] =	wrdreg s25  }
0x15: {  	s26 =	smax.u32 s18, $0x1;
	s18 =	simm.s32 $0x1600;
	[dreg:$0xd] =	wrdreg s0  }
0x16: {  	v0 =	vimm.f32 $0.0e+00;
	s8 =	simm.s32 $0x1700;
	[dreg:$0xe] =	wrdreg s26;
	s0 =	simm.s32 $0x2D80  }
.LBB2_1:
0x17: {  	[dreg:$0xf] =	wrdreg s2  }
0x18: {  	s1 =	rddreg [dreg:$0x5]  }
0x19: {  	[tilespmem:s16], [sflag:$0x4] =	stream.linear.gather [hbm4b:s1+s16], $0x400, $0x38;
	[tilespmem:$0x12C28] =	vst v63  }
0x1a: {  	_ =	swait.ge [sflag:s4], $0x400  }
0x1b: {  	[sflag:s4] =	ssyncset.done $0x0  }
0x1c: {  	s26 =	simm.s32 $0x400;
	s25 =	rddreg [dreg:$0x6];
	[sflag:s4] =	ssyncadd.s32 $0xFFFFFC00  }
0x1d: {  	[tilespmem:s26], [sflag:$0x4] =	stream.linear.gather [hbm4b:s25+s16], $0x400, $0x38;
	[tilespmem:$0x12C28] =	vst v63  }
0x1e: {  	_ =	swait.ge [sflag:s4], $0x400  }
0x1f: {  	[sflag:s4] =	ssyncset.done $0x0  }
0x20: {  	s12 =	simm.s32 $0x800;
	s11 =	rddreg [dreg:$0x7];
	[sflag:s4] =	ssyncadd.s32 $0xFFFFFC00  }
0x21: {  	[tilespmem:s12], [sflag:$0x4] =	stream.linear.gather [hbm4b:s11+s16], $0x400, $0x38;
	[tilespmem:$0x12C28] =	vst v63  }
0x22: {  	_ =	swait.ge [sflag:s4], $0x400  }
0x23: {  	[sflag:s4] =	ssyncset.done $0x0  }
0x24: {  	s14 =	simm.s32 $0xC00;
	s13 =	rddreg [dreg:$0x8];
	[sflag:s4] =	ssyncadd.s32 $0xFFFFFC00  }
0x25: {  	[tilespmem:s14], [sflag:$0x4] =	stream.linear.gather [hbm4b:s13+s16], $0x400, $0x38;
	[tilespmem:$0x12C28] =	vst v63  }
0x26: {  	_ =	swait.ge [sflag:s4], $0x400  }
0x27: {  	[sflag:s4] =	ssyncset.done $0x0  }
0x28: {  	s24 =	simm.s32 $0x1000;
	s15 =	rddreg [dreg:$0x9];
	[sflag:s4] =	ssyncadd.s32 $0xFFFFFC00  }
0x29: {  	[tilespmem:s24], [sflag:$0x4] =	stream.linear.gather [hbm4b:s15+s16], $0x400, $0x38;
	[tilespmem:$0x12C28] =	vst v63  }
0x2a: {  	_ =	swait.ge [sflag:s4], $0x400  }
0x2b: {  	[sflag:s4] =	ssyncset.done $0x0  }
0x2c: {  	s26 =	simm.s32 $0x1400;
	s25 =	rddreg [dreg:$0xa];
	[sflag:s4] =	ssyncadd.s32 $0xFFFFFC00  }
0x2d: {  	[tilespmem:s26], [sflag:$0x4] =	stream.linear.gather [hbm4b:s25+s16], $0x400, $0x38;
	[tilespmem:$0x12C28] =	vst v63  }
0x2e: {  	_ =	swait.ge [sflag:s4], $0x400  }
0x2f: {  	[sflag:s4] =	ssyncset.done $0x0  }
0x30: {  	s1 =	simm.s32 $0x40;
	[sflag:s4] =	ssyncadd.s32 $0xFFFFFC00;
	s4 =	simm.s32 $0x0  }
.LBB2_2:
0x31: {  	p2 =	sne.s32 s1, $0xFC0;
	[tilespmem:s4+$0x3000] =	vst v0;
	s11 =	smov.u32 s1;
	s1 =	sadd.s32 $0x40, s1  }
.Ltmp0:
0x32: {  	[tilespmem:s4+$0x3400] =	vst v0;
	(pc) =	sbr.rel @p2 .LBB2_2-.Ltmp0, $2  }
0x33: {  	_ =	sdelay $0x2  }
0x34: {  	s4 =	sshra.s32 s11, $0x2  }
0x35: {  	[tilespmem:s4+$0x3000] =	vst v0;
	s11 =	simm.s32 @!p0 $0x1;
	s12 =	simm.s32 @!p0 $0x10  }
0x36: {  	[tilespmem:s4+$0x3400] =	vst v0;
	s13 =	simm.s32 @!p0 $0x80;
	s14 =	simm.s32 @!p0 $0x1C01;
	s1 =	rddreg [dreg:$0xb]  }
0x37: {  	[spmem:s22@s12], [sflag:s14] =	dma.strided @!p0 [hbm:s1@s13], $0x1E850, s11, $0x10   }
0x38: {  	_ =	swait.ge @!p0 [sflag:s11], $0x1E850  }
0x39: {  	[sflag:s11] =	ssyncset.done @!p0 $0x0  }
0x3a: {  	[sflag:s11] =	ssyncadd.s32 @!p0 $0xFFFE17B0  }
0x3b: {  	s15 =	simm.s32 $0x0;
	[bflag:$0x0] =	sbarrier.arrive $0xFFFF  }
.LBB2_4:
0x3c: {  	s1 =	simm.s32 $0x1800  }
0x3d: {  	[tilespmem:s1], [sflag:$0x3] =	stream.indirect.gather [spmem:s3], $0x1, s16, s23, $0xb8;
	[tilespmem:$0x12C28] =	vst v63  }
0x3e: {  	s25 =	simm.s32 $0x1880  }
0x3f: {  	[tilespmem:s25], [sflag:$0x3] =	stream.indirect.gather [spmem:s3], $0x1, s23, s23, $0xb8;
	[tilespmem:$0x12C28] =	vst v63  }
0x40: {  	s26 =	simm.s32 $0x100;
	s2 =	simm.s32 $0x1900  }
0x41: {  	[tilespmem:s2], [sflag:$0x3] =	stream.indirect.gather [spmem:s3], $0x1, s26, s23, $0xb8;
	[tilespmem:$0x12C28] =	vst v63  }
0x42: {  	s4 =	simm.s32 $0x1980;
	s2 =	simm.s32 $0x180  }
0x43: {  	[tilespmem:s4], [sflag:$0x3] =	stream.indirect.gather [spmem:s3], $0x1, s2, s23, $0xb8;
	[tilespmem:$0x12C28] =	vst v63  }
0x44: {  	s24 =	simm.s32 $0x1A00;
	s16 =	simm.s32 $0x200  }
0x45: {  	[tilespmem:s24], [sflag:$0x3] =	stream.indirect.gather [spmem:s3], $0x1, s16, s23, $0xb8;
	[tilespmem:$0x12C28] =	vst v63  }
0x46: {  	s25 =	simm.s32 $0x280;
	s26 =	simm.s32 $0x1A80  }
0x47: {  	[tilespmem:s26], [sflag:$0x3] =	stream.indirect.gather [spmem:s3], $0x1, s25, s23, $0xb8;
	[tilespmem:$0x12C28] =	vst v63  }
0x48: {  	s2 =	simm.s32 $0x300;
	s4 =	simm.s32 $0x1B00  }
0x49: {  	[tilespmem:s4], [sflag:$0x3] =	stream.indirect.gather [spmem:s3], $0x1, s2, s23, $0xb8;
	[tilespmem:$0x12C28] =	vst v63  }
0x4a: {  	s16 =	simm.s32 $0x380;
	s24 =	simm.s32 $0x1B80  }
0x4b: {  	[tilespmem:s24], [sflag:$0x3] =	stream.indirect.gather [spmem:s3], $0x1, s16, s23, $0xb8;
	[tilespmem:$0x12C28] =	vst v63  }
0x4c: {  	s25 =	simm.s32 $0x400;
	s26 =	simm.s32 $0x1C00  }
0x4d: {  	[tilespmem:s26], [sflag:$0x3] =	stream.indirect.gather [spmem:s3], $0x1, s25, s23, $0xb8;
	[tilespmem:$0x12C28] =	vst v63  }
0x4e: {  	s2 =	simm.s32 $0x480;
	s4 =	simm.s32 $0x1C80  }
0x4f: {  	[tilespmem:s4], [sflag:$0x3] =	stream.indirect.gather [spmem:s3], $0x1, s2, s23, $0xb8;
	[tilespmem:$0x12C28] =	vst v63  }
0x50: {  	s16 =	simm.s32 $0x500;
	s24 =	simm.s32 $0x1D00  }
0x51: {  	[tilespmem:s24], [sflag:$0x3] =	stream.indirect.gather [spmem:s3], $0x1, s16, s23, $0xb8;
	[tilespmem:$0x12C28] =	vst v63  }
0x52: {  	s25 =	simm.s32 $0x580;
	s26 =	simm.s32 $0x1D80  }
0x53: {  	[tilespmem:s26], [sflag:$0x3] =	stream.indirect.gather [spmem:s3], $0x1, s25, s23, $0xb8;
	[tilespmem:$0x12C28] =	vst v63  }
0x54: {  	s2 =	simm.s32 $0x600;
	s4 =	simm.s32 $0x1E00  }
0x55: {  	[tilespmem:s4], [sflag:$0x3] =	stream.indirect.gather [spmem:s3], $0x1, s2, s23, $0xb8;
	[tilespmem:$0x12C28] =	vst v63  }
0x56: {  	s16 =	simm.s32 $0x680;
	s24 =	simm.s32 $0x1E80  }
0x57: {  	[tilespmem:s24], [sflag:$0x3] =	stream.indirect.gather [spmem:s3], $0x1, s16, s23, $0xb8;
	[tilespmem:$0x12C28] =	vst v63  }
0x58: {  	s25 =	simm.s32 $0x700;
	s26 =	simm.s32 $0x1F00  }
0x59: {  	[tilespmem:s26], [sflag:$0x3] =	stream.indirect.gather [spmem:s3], $0x1, s25, s23, $0xb8;
	[tilespmem:$0x12C28] =	vst v63  }
0x5a: {  	s2 =	simm.s32 $0x780;
	s4 =	simm.s32 $0x1F80  }
0x5b: {  	[tilespmem:s4], [sflag:$0x3] =	stream.indirect.gather [spmem:s3], $0x1, s2, s23, $0xb8;
	[tilespmem:$0x12C28] =	vst v63  }
0x5c: {  	s16 =	simm.s32 $0xC00;
	s24 =	simm.s32 $0x2400  }
0x5d: {  	[tilespmem:s24], [sflag:$0x3] =	stream.indirect.gather [spmem:s3], $0x1, s16, s23, $0xb8;
	[tilespmem:$0x12C28] =	vst v63  }
0x5e: {  	s25 =	simm.s32 $0xC80;
	s26 =	simm.s32 $0x2480  }
0x5f: {  	[tilespmem:s26], [sflag:$0x3] =	stream.indirect.gather [spmem:s3], $0x1, s25, s23, $0xb8;
	[tilespmem:$0x12C28] =	vst v63  }
0x60: {  	s2 =	simm.s32 $0xD00;
	s4 =	simm.s32 $0x2500  }
0x61: {  	[tilespmem:s4], [sflag:$0x3] =	stream.indirect.gather [spmem:s3], $0x1, s2, s23, $0xb8;
	[tilespmem:$0x12C28] =	vst v63  }
0x62: {  	s16 =	simm.s32 $0xD80;
	s24 =	simm.s32 $0x2580  }
0x63: {  	[tilespmem:s24], [sflag:$0x3] =	stream.indirect.gather [spmem:s3], $0x1, s16, s23, $0xb8;
	[tilespmem:$0x12C28] =	vst v63  }
0x64: {  	s25 =	simm.s32 $0xE00;
	s26 =	simm.s32 $0x2600  }
0x65: {  	[tilespmem:s26], [sflag:$0x3] =	stream.indirect.gather [spmem:s3], $0x1, s25, s23, $0xb8;
	[tilespmem:$0x12C28] =	vst v63  }
0x66: {  	s2 =	simm.s32 $0xE80;
	s4 =	simm.s32 $0x2680  }
0x67: {  	[tilespmem:s4], [sflag:$0x3] =	stream.indirect.gather [spmem:s3], $0x1, s2, s23, $0xb8;
	[tilespmem:$0x12C28] =	vst v63  }
0x68: {  	s16 =	simm.s32 $0xF00;
	s24 =	simm.s32 $0x2700  }
0x69: {  	[tilespmem:s24], [sflag:$0x3] =	stream.indirect.gather [spmem:s3], $0x1, s16, s23, $0xb8;
	[tilespmem:$0x12C28] =	vst v63  }
0x6a: {  	s25 =	simm.s32 $0xF80;
	s26 =	simm.s32 $0x2780  }
0x6b: {  	[tilespmem:s26], [sflag:$0x3] =	stream.indirect.gather [spmem:s3], $0x1, s25, s23, $0xb8;
	[tilespmem:$0x12C28] =	vst v63  }
0x6c: {  	s2 =	simm.s32 $0x1000;
	s4 =	simm.s32 $0x2800  }
0x6d: {  	[tilespmem:s4], [sflag:$0x3] =	stream.indirect.gather [spmem:s3], $0x1, s2, s23, $0xb8;
	[tilespmem:$0x12C28] =	vst v63  }
0x6e: {  	s16 =	simm.s32 $0x1080;
	s24 =	simm.s32 $0x2880  }
0x6f: {  	[tilespmem:s24], [sflag:$0x3] =	stream.indirect.gather [spmem:s3], $0x1, s16, s23, $0xb8;
	[tilespmem:$0x12C28] =	vst v63  }
0x70: {  	s25 =	simm.s32 $0x1100;
	s26 =	simm.s32 $0x2900  }
0x71: {  	[tilespmem:s26], [sflag:$0x3] =	stream.indirect.gather [spmem:s3], $0x1, s25, s23, $0xb8;
	[tilespmem:$0x12C28] =	vst v63  }
0x72: {  	s2 =	simm.s32 $0x1180;
	s4 =	simm.s32 $0x2980  }
0x73: {  	[tilespmem:s4], [sflag:$0x3] =	stream.indirect.gather [spmem:s3], $0x1, s2, s23, $0xb8;
	[tilespmem:$0x12C28] =	vst v63  }
0x74: {  	s16 =	simm.s32 $0x1200;
	s24 =	simm.s32 $0x2A00  }
0x75: {  	[tilespmem:s24], [sflag:$0x3] =	stream.indirect.gather [spmem:s3], $0x1, s16, s23, $0xb8;
	[tilespmem:$0x12C28] =	vst v63  }
0x76: {  	s25 =	simm.s32 $0x1280;
	s26 =	simm.s32 $0x2A80  }
0x77: {  	[tilespmem:s26], [sflag:$0x3] =	stream.indirect.gather [spmem:s3], $0x1, s25, s23, $0xb8;
	[tilespmem:$0x12C28] =	vst v63  }
0x78: {  	s2 =	simm.s32 $0x1300;
	s4 =	simm.s32 $0x2B00  }
0x79: {  	[tilespmem:s4], [sflag:$0x3] =	stream.indirect.gather [spmem:s3], $0x1, s2, s23, $0xb8;
	[tilespmem:$0x12C28] =	vst v63  }
0x7a: {  	s16 =	simm.s32 $0x1380;
	s24 =	simm.s32 $0x2B80  }
0x7b: {  	[tilespmem:s24], [sflag:$0x3] =	stream.indirect.gather [spmem:s3], $0x1, s16, s23, $0xb8;
	[tilespmem:$0x12C28] =	vst v63  }
0x7c: {  	_ =	swait.ge [sflag:s7], $0x80  }
0x7d: {  	[sflag:s7] =	ssyncset.done $0x0  }
0x7e: {  	[sflag:s7] =	ssyncadd.s32 $0xFFFFFF80  }
0x7f: {  	_ =	swait.ge [sflag:s7], $0x80  }
0x80: {  	[sflag:s7] =	ssyncset.done $0x0  }
0x81: {  	[sflag:s7] =	ssyncadd.s32 $0xFFFFFF80  }
0x82: {  	_ =	swait.ge [sflag:s7], $0x80  }
0x83: {  	[sflag:s7] =	ssyncset.done $0x0  }
0x84: {  	[sflag:s7] =	ssyncadd.s32 $0xFFFFFF80  }
0x85: {  	_ =	swait.ge [sflag:s7], $0x80  }
0x86: {  	[sflag:s7] =	ssyncset.done $0x0  }
0x87: {  	[sflag:s7] =	ssyncadd.s32 $0xFFFFFF80  }
0x88: {  	_ =	swait.ge [sflag:s7], $0x80  }
0x89: {  	[sflag:s7] =	ssyncset.done $0x0  }
0x8a: {  	[sflag:s7] =	ssyncadd.s32 $0xFFFFFF80  }
0x8b: {  	_ =	swait.ge [sflag:s7], $0x80  }
0x8c: {  	[sflag:s7] =	ssyncset.done $0x0  }
0x8d: {  	[sflag:s7] =	ssyncadd.s32 $0xFFFFFF80  }
0x8e: {  	_ =	swait.ge [sflag:s7], $0x80  }
0x8f: {  	[sflag:s7] =	ssyncset.done $0x0  }
0x90: {  	[sflag:s7] =	ssyncadd.s32 $0xFFFFFF80  }
0x91: {  	_ =	swait.ge [sflag:s7], $0x80  }
0x92: {  	[sflag:s7] =	ssyncset.done $0x0  }
0x93: {  	[sflag:s7] =	ssyncadd.s32 $0xFFFFFF80  }
0x94: {  	_ =	swait.ge [sflag:s7], $0x80  }
0x95: {  	[sflag:s7] =	ssyncset.done $0x0  }
0x96: {  	[sflag:s7] =	ssyncadd.s32 $0xFFFFFF80  }
0x97: {  	_ =	swait.ge [sflag:s7], $0x80  }
0x98: {  	[sflag:s7] =	ssyncset.done $0x0  }
0x99: {  	[sflag:s7] =	ssyncadd.s32 $0xFFFFFF80  }
0x9a: {  	_ =	swait.ge [sflag:s7], $0x80  }
0x9b: {  	[sflag:s7] =	ssyncset.done $0x0  }
0x9c: {  	[sflag:s7] =	ssyncadd.s32 $0xFFFFFF80  }
0x9d: {  	_ =	swait.ge [sflag:s7], $0x80  }
0x9e: {  	[sflag:s7] =	ssyncset.done $0x0  }
0x9f: {  	[sflag:s7] =	ssyncadd.s32 $0xFFFFFF80  }
0xa0: {  	_ =	swait.ge [sflag:s7], $0x80  }
0xa1: {  	[sflag:s7] =	ssyncset.done $0x0  }
0xa2: {  	[sflag:s7] =	ssyncadd.s32 $0xFFFFFF80  }
0xa3: {  	_ =	swait.ge [sflag:s7], $0x80  }
0xa4: {  	[sflag:s7] =	ssyncset.done $0x0  }
0xa5: {  	[sflag:s7] =	ssyncadd.s32 $0xFFFFFF80  }
0xa6: {  	_ =	swait.ge [sflag:s7], $0x80  }
0xa7: {  	[sflag:s7] =	ssyncset.done $0x0  }
0xa8: {  	[sflag:s7] =	ssyncadd.s32 $0xFFFFFF80  }
0xa9: {  	_ =	swait.ge [sflag:s7], $0x80  }
0xaa: {  	[sflag:s7] =	ssyncset.done $0x0  }
0xab: {  	[sflag:s7] =	ssyncadd.s32 $0xFFFFFF80  }
0xac: {  	_ =	swait.ge [sflag:s7], $0x80  }
0xad: {  	[sflag:s7] =	ssyncset.done $0x0  }
0xae: {  	[sflag:s7] =	ssyncadd.s32 $0xFFFFFF80  }
0xaf: {  	_ =	swait.ge [sflag:s7], $0x80  }
0xb0: {  	[sflag:s7] =	ssyncset.done $0x0  }
0xb1: {  	[sflag:s7] =	ssyncadd.s32 $0xFFFFFF80  }
0xb2: {  	_ =	swait.ge [sflag:s7], $0x80  }
0xb3: {  	[sflag:s7] =	ssyncset.done $0x0  }
0xb4: {  	[sflag:s7] =	ssyncadd.s32 $0xFFFFFF80  }
0xb5: {  	_ =	swait.ge [sflag:s7], $0x80  }
0xb6: {  	[sflag:s7] =	ssyncset.done $0x0  }
0xb7: {  	[sflag:s7] =	ssyncadd.s32 $0xFFFFFF80  }
0xb8: {  	_ =	swait.ge [sflag:s7], $0x80  }
0xb9: {  	[sflag:s7] =	ssyncset.done $0x0  }
0xba: {  	[sflag:s7] =	ssyncadd.s32 $0xFFFFFF80  }
0xbb: {  	_ =	swait.ge [sflag:s7], $0x80  }
0xbc: {  	[sflag:s7] =	ssyncset.done $0x0  }
0xbd: {  	[sflag:s7] =	ssyncadd.s32 $0xFFFFFF80  }
0xbe: {  	_ =	swait.ge [sflag:s7], $0x80  }
0xbf: {  	[sflag:s7] =	ssyncset.done $0x0  }
0xc0: {  	[sflag:s7] =	ssyncadd.s32 $0xFFFFFF80  }
0xc1: {  	_ =	swait.ge [sflag:s7], $0x80  }
0xc2: {  	[sflag:s7] =	ssyncset.done $0x0  }
0xc3: {  	[sflag:s7] =	ssyncadd.s32 $0xFFFFFF80  }
0xc4: {  	_ =	swait.ge [sflag:s7], $0x80  }
0xc5: {  	[sflag:s7] =	ssyncset.done $0x0  }
0xc6: {  	[sflag:s7] =	ssyncadd.s32 $0xFFFFFF80  }
0xc7: {  	_ =	swait.ge [sflag:s7], $0x80  }
0xc8: {  	[sflag:s7] =	ssyncset.done $0x0  }
0xc9: {  	[sflag:s7] =	ssyncadd.s32 $0xFFFFFF80  }
0xca: {  	_ =	swait.ge [sflag:s7], $0x80  }
0xcb: {  	[sflag:s7] =	ssyncset.done $0x0  }
0xcc: {  	[sflag:s7] =	ssyncadd.s32 $0xFFFFFF80  }
0xcd: {  	_ =	swait.ge [sflag:s7], $0x80  }
0xce: {  	[sflag:s7] =	ssyncset.done $0x0  }
0xcf: {  	[sflag:s7] =	ssyncadd.s32 $0xFFFFFF80  }
0xd0: {  	_ =	swait.ge [sflag:s7], $0x80  }
0xd1: {  	[sflag:s7] =	ssyncset.done $0x0  }
0xd2: {  	[sflag:s7] =	ssyncadd.s32 $0xFFFFFF80  }
0xd3: {  	_ =	swait.ge [sflag:s7], $0x80  }
0xd4: {  	[sflag:s7] =	ssyncset.done $0x0  }
0xd5: {  	[sflag:s7] =	ssyncadd.s32 $0xFFFFFF80  }
0xd6: {  	_ =	swait.ge [sflag:s7], $0x80  }
0xd7: {  	[sflag:s7] =	ssyncset.done $0x0  }
0xd8: {  	s16 =	sadd.s32 s5, s15;
	[sflag:s7] =	ssyncadd.s32 $0xFFFFFF80  }
0xd9: {  	s1 =	sshrl.u32 @!p1 s16, $0x3;
	_ =	swait.ge [sflag:s7], $0x80  }
0xda: {  	s4 =	sshll.u32 @!p1 s15, $0x7;
	s1 =	smul.u32 @!p1 $0x7A1400, s1;
	[sflag:s7] =	ssyncset.done $0x0  }
0xdb: {  	s25 =	simm.s32 @!p1 $0x80;
	s4 =	sand.u32 @!p1 $0x380, s4;
	[sflag:s7] =	ssyncadd.s32 $0xFFFFFF80  }
0xdc: {  	s26 =	simm.s32 @!p1 $0x1C42;
	s1 =	sor.u32 @!p1 s4, s1;
	[bflag:$0x0] =	sbarrier.arrive $0xFFFF  }
0xdd: {  	s24 =	simm.s32 @!p1 $0x10;
	s1 =	sshrl.u32 @!p1 s1, $0x3;
	s2 =	rddreg [dreg:$0x1]  }
0xde: {  	s4 =	sshrl.u32 @!p1 s3, $0x3;
	s1 =	sadd.s32 @!p1 s2, s1;
	s2 =	simm.s32 @!p1 $0x1  }
0xdf: {  	[spmem:s4@s24], [sflag:s26] =	dma.strided @!p1 [hbm:s1@s25], $0x1E850, s2, $0x10   }
0xe0: {  	s1 =	simm.s32 @!p1 $0x2  }
0xe1: {  	_ =	swait.ge @!p1 [sflag:s1], $0x1E850  }
0xe2: {  	[sflag:s1] =	ssyncset.done @!p1 $0x0  }
0xe3: {  	[sflag:s1] =	ssyncadd.s32 @!p1 $0xFFFE17B0  }
0xe4: {  	s25 =	simm.s32 $0x800;
	s26 =	simm.s32 $0x2000;
	[bflag:$0x0] =	sbarrier.arrive $0xFFFF  }
0xe5: {  	[tilespmem:s26], [sflag:$0x3] =	stream.indirect.gather [spmem:s3], $0x1, s25, s23, $0xb8;
	[tilespmem:$0x12C28] =	vst v63  }
0xe6: {  	s4 =	simm.s32 $0x880;
	s24 =	simm.s32 $0x2080  }
0xe7: {  	[tilespmem:s24], [sflag:$0x3] =	stream.indirect.gather [spmem:s3], $0x1, s4, s23, $0xb8;
	[tilespmem:$0x12C28] =	vst v63  }
0xe8: {  	s25 =	simm.s32 $0x900;
	s26 =	simm.s32 $0x2100  }
0xe9: {  	[tilespmem:s26], [sflag:$0x3] =	stream.indirect.gather [spmem:s3], $0x1, s25, s23, $0xb8;
	[tilespmem:$0x12C28] =	vst v63  }
0xea: {  	s4 =	simm.s32 $0x980;
	s24 =	simm.s32 $0x2180  }
0xeb: {  	[tilespmem:s24], [sflag:$0x3] =	stream.indirect.gather [spmem:s3], $0x1, s4, s23, $0xb8;
	[tilespmem:$0x12C28] =	vst v63  }
0xec: {  	s25 =	simm.s32 $0xA00;
	s26 =	simm.s32 $0x2200  }
0xed: {  	[tilespmem:s26], [sflag:$0x3] =	stream.indirect.gather [spmem:s3], $0x1, s25, s23, $0xb8;
	[tilespmem:$0x12C28] =	vst v63  }
0xee: {  	s4 =	simm.s32 $0xA80;
	s24 =	simm.s32 $0x2280  }
0xef: {  	[tilespmem:s24], [sflag:$0x3] =	stream.indirect.gather [spmem:s3], $0x1, s4, s23, $0xb8;
	[tilespmem:$0x12C28] =	vst v63  }
0xf0: {  	s25 =	simm.s32 $0xB00;
	s26 =	simm.s32 $0x2300  }
0xf1: {  	[tilespmem:s26], [sflag:$0x3] =	stream.indirect.gather [spmem:s3], $0x1, s25, s23, $0xb8;
	[tilespmem:$0x12C28] =	vst v63  }
0xf2: {  	s4 =	simm.s32 $0xB80;
	s24 =	simm.s32 $0x2380  }
0xf3: {  	[tilespmem:s24], [sflag:$0x3] =	stream.indirect.gather [spmem:s3], $0x1, s4, s23, $0xb8;
	[tilespmem:$0x12C28] =	vst v63  }
0xf4: {  	s25 =	simm.s32 $0x1400;
	s26 =	simm.s32 $0x2C00  }
0xf5: {  	[tilespmem:s26], [sflag:$0x3] =	stream.indirect.gather [spmem:s3], $0x1, s25, s23, $0xb8;
	[tilespmem:$0x12C28] =	vst v63  }
0xf6: {  	_ = 	snop  }
0xf7: {  	[tilespmem:s29], [sflag:$0x3] =	stream.indirect.gather [spmem:s3], $0x1, s28, s23, $0xb8;
	[tilespmem:$0x12C28] =	vst v63  }
0xf8: {  	_ = 	snop  }
0xf9: {  	[tilespmem:s31], [sflag:$0x3] =	stream.indirect.gather [spmem:s3], $0x1, s30, s23, $0xb8;
	[tilespmem:$0x12C28] =	vst v63  }
0xfa: {  	_ = 	snop  }
0xfb: {  	[tilespmem:s0], [sflag:$0x3] =	stream.indirect.gather [spmem:s3], $0x1, s17, s23, $0xb8;
	[tilespmem:$0x12C28] =	vst v63  }
0xfc: {  	_ = 	snop  }
0xfd: {  	[tilespmem:s6], [sflag:$0x3] =	stream.indirect.gather [spmem:s3], $0x1, s18, s23, $0xb8;
	[tilespmem:$0x12C28] =	vst v63  }
0xfe: {  	_ = 	snop  }
0xff: {  	[tilespmem:s20], [sflag:$0x3] =	stream.indirect.gather [spmem:s3], $0x1, s19, s23, $0xb8;
	[tilespmem:$0x12C28] =	vst v63  }
0x100: {  	_ = 	snop  }
0x101: {  	[tilespmem:s21], [sflag:$0x3] =	stream.indirect.gather [spmem:s3], $0x1, s8, s23, $0xb8;
	[tilespmem:$0x12C28] =	vst v63  }
0x102: {  	_ = 	snop  }
0x103: {  	[tilespmem:s10], [sflag:$0x3] =	stream.indirect.gather [spmem:s3], $0x1, s9, s23, $0xb8;
	[tilespmem:$0x12C28] =	vst v63  }
0x104: {  	_ =	swait.ge [sflag:s7], $0x80  }
0x105: {  	[sflag:s7] =	ssyncset.done $0x0  }
0x106: {  	[sflag:s7] =	ssyncadd.s32 $0xFFFFFF80  }
0x107: {  	_ =	swait.ge [sflag:s7], $0x80  }
0x108: {  	[sflag:s7] =	ssyncset.done $0x0  }
0x109: {  	[sflag:s7] =	ssyncadd.s32 $0xFFFFFF80  }
0x10a: {  	_ =	swait.ge [sflag:s7], $0x80  }
0x10b: {  	[sflag:s7] =	ssyncset.done $0x0  }
0x10c: {  	[sflag:s7] =	ssyncadd.s32 $0xFFFFFF80  }
0x10d: {  	_ =	swait.ge [sflag:s7], $0x80  }
0x10e: {  	[sflag:s7] =	ssyncset.done $0x0  }
0x10f: {  	[sflag:s7] =	ssyncadd.s32 $0xFFFFFF80  }
0x110: {  	_ =	swait.ge [sflag:s7], $0x80  }
0x111: {  	[sflag:s7] =	ssyncset.done $0x0  }
0x112: {  	[sflag:s7] =	ssyncadd.s32 $0xFFFFFF80  }
0x113: {  	_ =	swait.ge [sflag:s7], $0x80  }
0x114: {  	[sflag:s7] =	ssyncset.done $0x0  }
0x115: {  	[sflag:s7] =	ssyncadd.s32 $0xFFFFFF80  }
0x116: {  	_ =	swait.ge [sflag:s7], $0x80  }
0x117: {  	[sflag:s7] =	ssyncset.done $0x0  }
0x118: {  	[sflag:s7] =	ssyncadd.s32 $0xFFFFFF80  }
0x119: {  	_ =	swait.ge [sflag:s7], $0x80  }
0x11a: {  	[sflag:s7] =	ssyncset.done $0x0  }
0x11b: {  	[sflag:s7] =	ssyncadd.s32 $0xFFFFFF80  }
0x11c: {  	_ =	swait.ge [sflag:s7], $0x80  }
0x11d: {  	[sflag:s7] =	ssyncset.done $0x0  }
0x11e: {  	[sflag:s7] =	ssyncadd.s32 $0xFFFFFF80  }
0x11f: {  	_ =	swait.ge [sflag:s7], $0x80  }
0x120: {  	[sflag:s7] =	ssyncset.done $0x0  }
0x121: {  	[sflag:s7] =	ssyncadd.s32 $0xFFFFFF80  }
0x122: {  	_ =	swait.ge [sflag:s7], $0x80  }
0x123: {  	[sflag:s7] =	ssyncset.done $0x0  }
0x124: {  	[sflag:s7] =	ssyncadd.s32 $0xFFFFFF80  }
0x125: {  	_ =	swait.ge [sflag:s7], $0x80  }
0x126: {  	[sflag:s7] =	ssyncset.done $0x0  }
0x127: {  	[sflag:s7] =	ssyncadd.s32 $0xFFFFFF80  }
0x128: {  	_ =	swait.ge [sflag:s7], $0x80  }
0x129: {  	[sflag:s7] =	ssyncset.done $0x0  }
0x12a: {  	[sflag:s7] =	ssyncadd.s32 $0xFFFFFF80  }
0x12b: {  	_ =	swait.ge [sflag:s7], $0x80  }
0x12c: {  	[sflag:s7] =	ssyncset.done $0x0  }
0x12d: {  	[sflag:s7] =	ssyncadd.s32 $0xFFFFFF80  }
0x12e: {  	p2 =	slt.s32 s16, $0x3E;
	_ =	swait.ge [sflag:s7], $0x80  }
0x12f: {  	s16 =	simm.s32 @!p2 $0x3E;
	[sflag:s7] =	ssyncset.done $0x0  }
0x130: {  	s1 =	sadd.s32 $0x1, s16;
	[sflag:s7] =	ssyncadd.s32 $0xFFFFFF80  }
0x131: {  	s2 =	sshrl.u32 @!p0 s1, $0x3;
	_ =	swait.ge [sflag:s7], $0x80  }
0x132: {  	s1 =	sshll.u32 @!p0 s1, $0x7;
	s2 =	smul.u32 @!p0 $0x7A1400, s2;
	[sflag:s7] =	ssyncset.done $0x0  }
0x133: {  	s1 =	sand.u32 @!p0 $0x380, s1;
	[sflag:s7] =	ssyncadd.s32 $0xFFFFFF80  }
0x134: {  	s1 =	sor.u32 @!p0 s1, s2;
	[bflag:$0x0] =	sbarrier.arrive $0xFFFF  }
0x135: {  	s1 =	sshrl.u32 @!p0 s1, $0x3;
	s2 =	rddreg [dreg:$0x0]  }
0x136: {  	s4 =	simm.s32 $0x0;
	s1 =	sadd.s32 @!p0 s2, s1  }
0x137: {  	[spmem:s22@s12], [sflag:s14] =	dma.strided @!p0 [hbm:s1@s13], $0x1E850, s11, $0x10   }
0x138: {  	v3 =	vld [tilespmem:s4+$0x1800]  }
0x139: {  	v4 =	vld [tilespmem:s4+$0x2000]  }
0x13a: {  	v5 =	vld [tilespmem:s4+$0x2400]  }
0x13b: {  	v6 =	vld [tilespmem:s4+$0x2C00]  }
0x13c: {  	v7 =	vld [tilespmem:s4+$0x1C00]  }
0x13d: {  	s16 =	simm.s32 $0x10;
	v8 =	vld [tilespmem:s4+$0x2800]  }
0x13e: {  	v2 =	vld [tilespmem:s16+$0x1800]  }
0x13f: {  	v1 =	vld [tilespmem:s16+$0x2000];
	v3 =	vadd.f32 v4, v3  }
0x140: {  	v4 =	vld [tilespmem:s4+$0x3000];
	v9 =	vadd.f32 v6, v5  }
0x141: {  	v5 =	vld [tilespmem:s4+$0x3400];
	v6 =	vsub.f32 v3, v7  }
0x142: {  	s1 =	simm.s32 $0x80;
	v3 =	vld [tilespmem:s16+$0x2400];
	v7 =	vsub.f32 v9, v8  }
.LBB2_5:
0x143: {  	p2 =	sne.s32 s1, $0xFC0;
	v8 =	vld [tilespmem:s16+$0x2C00];
	v6 =	vmul.f32 v6, v6;
	v9 =	vmov v2  }
0x144: {  	v10 =	vld [tilespmem:s16+$0x1C00];
	v7 =	vmul.f32 v7, v7  }
0x145: {  	s2 =	sshra.s32 s1, $0x2;
	v11 =	vld [tilespmem:s16+$0x2800];
	v4 =	vadd.f32 v6, v4  }
.Ltmp1:
0x146: {  	v2 =	vld [tilespmem:s2+$0x1800];
	v5 =	vadd.f32 v7, v5;
	(pc) =	sbr.rel @p2 .LBB2_5-.Ltmp1, $4  }
0x147: {  	v6 =	vadd.f32 v1, v9;
	v1 =	vld [tilespmem:s2+$0x2000];
	[tilespmem:s4+$0x3000] =	vst v4  }
0x148: {  	v4 =	vld [tilespmem:s16+$0x3000];
	v7 =	vadd.f32 v8, v3;
	[tilespmem:s4+$0x3400] =	vst v5;
	s4 =	smov.u32 s16;
	s16 =	smov.u32 s2  }
0x149: {  	v6 =	vsub.f32 v6, v10;
	v5 =	vld [tilespmem:s4+$0x3400]  }
0x14a: {  	s1 =	sadd.s32 $0x40, s1;
	v3 =	vld [tilespmem:s16+$0x2400];
	v7 =	vsub.f32 v7, v11  }
0x14b: {  	v6 =	vmul.f32 v6, v6;
	v8 =	vld [tilespmem:s16+$0x2C00]  }
0x14c: {  	v9 =	vld [tilespmem:s16+$0x1C00];
	v7 =	vmul.f32 v7, v7  }
0x14d: {  	v63 =	vld [tilespmem:s16+$0x2800];
	v4 =	vadd.f32 v6, v4  }
0x14e: {  	v5 =	vadd.f32 v7, v5  }
0x14f: {  	v1 =	vadd.f32 v1, v2;
	[tilespmem:s4+$0x3000] =	vst v4  }
0x150: {  	v2 =	vld [tilespmem:s16+$0x3000];
	v3 =	vadd.f32 v8, v3;
	[tilespmem:s4+$0x3400] =	vst v5  }
0x151: {  	v1 =	vsub.f32 v1, v9;
	v4 =	vld [tilespmem:s16+$0x3400]  }
0x152: {  	v3 =	vsub.f32 v3, v63  }
0x153: {  	v1 =	vmul.f32 v1, v1  }
0x154: {  	v3 =	vmul.f32 v3, v3  }
0x155: {  	v1 =	vadd.f32 v1, v2  }
0x156: {  	v2 =	vadd.f32 v3, v4  }
0x157: {  	s15 =	sadd.s32 $0x1, s15;
	[tilespmem:s16+$0x3000] =	vst v1  }
0x158: {  	s1 =	simm.s32 @!p0 $0x1;
	p2 =	sne.s32 s15, $0x20;
	[tilespmem:s16+$0x3400] =	vst v2  }
.Ltmp2:
0x159: {  	_ =	swait.ge @!p0 [sflag:s1], $0x1E850;
	(pc) =	sbr.rel @p2 .LBB2_4-.Ltmp2, $4  }
0x15a: {  	[sflag:s1] =	ssyncset.done @!p0 $0x0  }
0x15b: {  	[sflag:s1] =	ssyncadd.s32 @!p0 $0xFFFE17B0  }
0x15c: {  	[bflag:$0x0] =	sbarrier.arrive $0xFFFF  }
0x15d: {  	s16 =	simm.s32 $0x0  }
0x15e: {  	s1 =	rddreg [dreg:$0xc];
	s2 =	simm.s32 $0x3000;
	s4 =	simm.s32 $0x4  }
0x15f: {  	[hbm4b:s1+s16] =	stream.linear.scatter [tilespmem:s2], [sflag:$0x4], $0x400, $0x38;
	[tilespmem:$0x12C28] =	vst v63  }
0x160: {  	_ =	swait.ge [sflag:s4], $0x400  }
0x161: {  	[sflag:s4] =	ssyncset.done $0x0  }
0x162: {  	s24 =	simm.s32 $0x3400;
	s15 =	rddreg [dreg:$0xd];
	[sflag:s4] =	ssyncadd.s32 $0xFFFFFC00  }
0x163: {  	[hbm4b:s15+s16] =	stream.linear.scatter [tilespmem:s24], [sflag:$0x4], $0x400, $0x38;
	[tilespmem:$0x12C28] =	vst v63  }
0x164: {  	_ =	swait.ge [sflag:s4], $0x400  }
0x165: {  	s25 =	rddreg [dreg:$0xf]  }
0x166: {  	s26 =	rddreg [dreg:$0xe];
	s2 =	sadd.s32 $0x1, s25  }
0x167: {  	p2 =	sne.s32 s2, s26  }
.Ltmp3:
0x168: {  	_ = 	snop;
	(pc) =	sbr.rel @p2 .LBB2_1-.Ltmp3, $3  }
0x169: {  	_ =	sdelay $0x1  }
0x16a: {  	[sflag:s4] =	ssyncset.done $0x0  }
0x16b: {  	[sflag:s4] =	ssyncadd.s32 $0xFFFFFC00  }
0x16c: {  	_ =	sfence.sel $0x180000  }
0x16d: {  	[bflag:$0x0] =	sbarrier.arrive $0xFFFF  }
0x16e: {  	_ =	strace $0x90000047  }
0x16f: {  	[bflag:$0x2] =	sbarrier.arrive $0xFFFF  }
0x170: {  	s0 =	rddreg [dreg:$0x4]  }
0x171: {  	s0 =	sadd.s32 @!p0 $0x100000, s0  }
0x172: {  	[sflag:s0] =	ssyncadd.tile.s32 @!p0 $0x1;
	_ =	shalt  }
.Lfunc_end2:
_tile_overlayer_lowered:
.L_overlay_start_2:
0x173: {  	(tag) =	ssettag $0x2  }
0x174: {  	s0 =	rddreg [dreg:$0x0];
	s2 =	stileid.u32  }
0x175: {  	s1 =	rddreg [dreg:$0x1];
	p0 =	sne.s32 s2, $0x0  }
0x176: {  	s3 =	rddreg [dreg:$0x2];
	[bflag:$0x3] =	sbarrier.arrive $0xFFFF;
	s2 =	simm.s32 @!p0 $0x1C04  }
0x177: {  	[timem:s3], [sflag:s2] =	dma.local @!p0 [hbm:s0], s1  }
0x178: {  	s0 =	simm.s32 @!p0 $0x4  }
0x179: {  	_ =	swait.ge @!p0 [sflag:s0], s1  }
0x17a: {  	s1 =	ssub.s32 @!p0 $0x0, s1;
	[sflag:s0] =	ssyncset.done @!p0 $0x0  }
0x17b: {  	[sflag:s0] =	ssyncadd.s32 @!p0 s1  }
0x17c: {  	[bflag:$0x3] =	sbarrier.arrive $0xFFFF  }
0x17d: {  	_ =	shalt  }

</sc_bundles>
